<compile_context>
chip_gen: v7x
topology: tpu7x:2x2x1
jax: 0.10.2.dev20260603
libtpu: 0.0.44.dev20260713+nightly
codegen_flags: <defaults>
</compile_context>

<pallas_src>
import functools

import jax
import jax.numpy as jnp
from jax import lax
from jax.experimental import pallas as pl
from jax.experimental.pallas import tpu as pltpu
from jax.experimental.pallas import tpu_sc as plsc

N = 10000
E = 320000
G = 256
D = 128

NW = 32
KC = 128
CPW = 79
EPAD = NW * CPW * KC
NPAD = N + 112
RPS = NPAD // 16

BN = 2000
GRID = N // BN

_mesh = plsc.VectorSubcoreMesh(core_axis_name="c", subcore_axis_name="s")



def _sc_agg(table, src_p, dst_p, zeros):

    @functools.partial(
        pl.kernel,
        out_type=jax.ShapeDtypeStruct((2, NPAD, D), jnp.float32),
        mesh=_mesh,
        scratch_types=[
            pltpu.VMEM((CPW, KC), jnp.int32),
            pltpu.VMEM((CPW, KC), jnp.int32),
            pltpu.VMEM((KC, D), jnp.float32),
            pltpu.VMEM_SHARED((NPAD, D), jnp.float32),
            pltpu.SemaphoreType.DMA,
        ],
    )
    def k(table_hbm, src_hbm, dst_hbm, z_hbm, out_hbm,
          src_v, dst_v, rows_v, acc, sem):
        cid = lax.axis_index("c")
        sid = lax.axis_index("s")
        wid = sid * 2 + cid
        pltpu.sync_copy(z_hbm.at[pl.ds(sid * RPS, RPS)],
                        acc.at[pl.ds(sid * RPS, RPS)])
        pltpu.sync_copy(src_hbm.at[wid], src_v)
        pltpu.sync_copy(dst_hbm.at[wid], dst_v)
        plsc.subcore_barrier()

        @pl.loop(0, CPW)
        def _(j):
            pltpu.async_copy(table_hbm.at[src_v.at[j]], rows_v, sem).wait()
            pltpu.sync_copy(rows_v, acc.at[dst_v.at[j]], add=True)

        plsc.subcore_barrier()
        pltpu.sync_copy(acc.at[pl.ds(sid * RPS, RPS)],
                        out_hbm.at[cid, pl.ds(sid * RPS, RPS)])

    return k(table, src_p, dst_p, zeros)


def _sc_deg(dst_p, zeros, ones):

    @functools.partial(
        pl.kernel,
        out_type=jax.ShapeDtypeStruct((2, NPAD, D), jnp.float32),
        mesh=_mesh,
        scratch_types=[
            pltpu.VMEM((CPW, KC), jnp.int32),
            pltpu.VMEM((KC, D), jnp.float32),
            pltpu.VMEM_SHARED((NPAD, D), jnp.float32),
            pltpu.SemaphoreType.DMA,
        ],
    )
    def k(dst_hbm, z_hbm, ones_hbm, out_hbm, dst_v, ones_v, acc, sem):
        cid = lax.axis_index("c")
        sid = lax.axis_index("s")
        wid = sid * 2 + cid
        pltpu.sync_copy(z_hbm.at[pl.ds(sid * RPS, RPS)],
                        acc.at[pl.ds(sid * RPS, RPS)])
        pltpu.sync_copy(dst_hbm.at[wid], dst_v)
        pltpu.async_copy(ones_hbm, ones_v, sem).wait()
        plsc.subcore_barrier()

        @pl.loop(0, CPW)
        def _(j):
            pltpu.sync_copy(ones_v, acc.at[dst_v.at[j]], add=True)

        plsc.subcore_barrier()
        pltpu.sync_copy(acc.at[pl.ds(sid * RPS, RPS)],
                        out_hbm.at[cid, pl.ds(sid * RPS, RPS)])

    return k(dst_p, zeros, ones)



def _mm_body(x_ref, w_ref, o_ref):
    o_ref[...] = jnp.dot(x_ref[...], w_ref[...],
                         preferred_element_type=jnp.float32)


def _mm(x, w):
    return pl.pallas_call(
        _mm_body,
        grid=(GRID,),
        in_specs=[pl.BlockSpec((BN, D), lambda i: (i, 0)),
                  pl.BlockSpec((D, D), lambda i: (0, 0))],
        out_specs=pl.BlockSpec((BN, D), lambda i: (i, 0)),
        out_shape=jax.ShapeDtypeStruct((N, D), jnp.float32),
    )(x, w)


def _dinv_of(degp_ref):
    deg = degp_ref[0, :, 0:1] + degp_ref[1, :, 0:1] + 1.0
    return lax.rsqrt(deg)


def _scale_body(degp_ref, xw_ref, o_ref):
    o_ref[...] = _dinv_of(degp_ref) * xw_ref[...]


def _scale(degp, xw):
    return pl.pallas_call(
        _scale_body,
        grid=(GRID,),
        in_specs=[pl.BlockSpec((2, BN, D), lambda i: (0, i, 0)),
                  pl.BlockSpec((BN, D), lambda i: (i, 0))],
        out_specs=pl.BlockSpec((BN, D), lambda i: (i, 0)),
        out_shape=jax.ShapeDtypeStruct((N, D), jnp.float32),
    )(degp, xw)


def _combine_body(agg_ref, degp_ref, hp_ref, b_ref, w_ref, o_ref):
    dinv = _dinv_of(degp_ref)
    p = agg_ref[0] + agg_ref[1] + hp_ref[...]
    xn = jnp.tanh(dinv * p + b_ref[...])
    o_ref[...] = dinv * jnp.dot(xn, w_ref[...],
                                preferred_element_type=jnp.float32)


def _combine(agg, degp, hp, b2d, wn):
    return pl.pallas_call(
        _combine_body,
        grid=(GRID,),
        in_specs=[pl.BlockSpec((2, BN, D), lambda i: (0, i, 0)),
                  pl.BlockSpec((2, BN, D), lambda i: (0, i, 0)),
                  pl.BlockSpec((BN, D), lambda i: (i, 0)),
                  pl.BlockSpec((1, D), lambda i: (0, 0)),
                  pl.BlockSpec((D, D), lambda i: (0, 0))],
        out_specs=pl.BlockSpec((BN, D), lambda i: (i, 0)),
        out_shape=jax.ShapeDtypeStruct((N, D), jnp.float32),
    )(agg, degp, hp, b2d, wn)


def _final_body(agg_ref, degp_ref, hp_ref, b_ref, batch_ref,
                na_ref, nb_ref, mw_ref,
                f1a_ref, f1r_ref, f1b_ref, f2w_ref, f2b_ref,
                f3w_ref, f3b_ref, f4w_ref, f4b_ref,
                o_ref, sums_ref, cnt_ref):
    i = pl.program_id(0)

    @pl.when(i == 0)
    def _():
        sums_ref[...] = jnp.zeros_like(sums_ref)
        cnt_ref[...] = jnp.zeros_like(cnt_ref)

    dinv = _dinv_of(degp_ref)
    p = agg_ref[0] + agg_ref[1] + hp_ref[...]
    h3 = dinv * p + b_ref[...]

    bb = batch_ref[0, 0, :]
    seg = lax.broadcasted_iota(jnp.int32, (G, BN), 0)
    oht = (seg == bb[None, :]).astype(jnp.float32)
    sums_ref[...] += jnp.dot(oht, h3, preferred_element_type=jnp.float32)
    cnt_ref[...] += jnp.sum(oht, axis=1, keepdims=True)

    @pl.when(i == GRID - 1)
    def _():
        cnt = cnt_ref[...]
        pooled = sums_ref[...] / jnp.maximum(cnt, 1.0)
        xg = (na_ref[...] + nb_ref[...] + mw_ref[...]) / 3.0
        xgc = jnp.where(cnt > 0, xg, 0.0)
        o = pooled @ f1a_ref[...] + xgc * f1r_ref[...] + f1b_ref[...]
        o = jnp.maximum(o, 0.0)
        o = jnp.maximum(o @ f2w_ref[...] + f2b_ref[...], 0.0)
        o = jnp.maximum(o @ f3w_ref[...] + f3b_ref[...], 0.0)
        o_ref[...] = o @ f4w_ref[...] + f4b_ref[...]


def _final(agg, degp, hp, b2d, batch3d, na, nb, mw,
           f1a, f1r, f1b, f2w, f2b, f3w, f3b, f4w, f4b):
    full = lambda shape: pl.BlockSpec(shape, lambda i: tuple(0 for _ in shape))
    return pl.pallas_call(
        _final_body,
        grid=(GRID,),
        in_specs=[pl.BlockSpec((2, BN, D), lambda i: (0, i, 0)),
                  pl.BlockSpec((2, BN, D), lambda i: (0, i, 0)),
                  pl.BlockSpec((BN, D), lambda i: (i, 0)),
                  full((1, D)),
                  pl.BlockSpec((1, 1, BN), lambda i: (i, 0, 0)),
                  full((G, 1)), full((G, 1)), full((G, 1)),
                  full((D, D)), full((1, D)), full((1, D)),
                  full((D, 64)), full((1, 64)),
                  full((64, 32)), full((1, 32)),
                  full((32, 1)), full((1, 1))],
        out_specs=full((G, 1)),
        out_shape=jax.ShapeDtypeStruct((G, 1), jnp.float32),
        scratch_shapes=[pltpu.VMEM((G, D), jnp.float32),
                        pltpu.VMEM((G, 1), jnp.float32)],
    )(agg, degp, hp, b2d, batch3d, na, nb, mw,
      f1a, f1r, f1b, f2w, f2b, f3w, f3b, f4w, f4b)



def kernel(x, edge_index, batch, reactant_natoms, reactant_nbonds,
           reactant_mw, W1, b1, W2, b2, W3, b3,
           fc1_W, fc1_b, fc2_W, fc2_b, fc3_W, fc3_b, fc4_W, fc4_b):
    src = edge_index[0]
    dst = edge_index[1]
    pad = EPAD - E
    src_p = jnp.concatenate(
        [src, jnp.zeros((pad,), jnp.int32)]).reshape(NW, CPW, KC)
    dst_p = jnp.concatenate(
        [dst, jnp.full((pad,), N, jnp.int32)]).reshape(NW, CPW, KC)
    zeros = jnp.zeros((NPAD, D), jnp.float32)
    ones = jnp.ones((KC, D), jnp.float32)

    degp = _sc_deg(dst_p, zeros, ones)
    xw1 = _mm(x, W1)
    h1p = _scale(degp, xw1)

    a1 = _sc_agg(h1p, src_p, dst_p, zeros)
    h2p = _combine(a1, degp, h1p, b1.reshape(1, D), W2)
    a2 = _sc_agg(h2p, src_p, dst_p, zeros)
    h3p = _combine(a2, degp, h2p, b2.reshape(1, D), W3)
    a3 = _sc_agg(h3p, src_p, dst_p, zeros)

    return _final(a3, degp, h3p, b3.reshape(1, D),
                  batch.reshape(GRID, 1, BN),
                  reactant_natoms.reshape(G, 1),
                  reactant_nbonds.reshape(G, 1),
                  reactant_mw.reshape(G, 1),
                  fc1_W[:D], fc1_W[D:D + 1], fc1_b.reshape(1, -1),
                  fc2_W, fc2_b.reshape(1, -1),
                  fc3_W, fc3_b.reshape(1, -1),
                  fc4_W, fc4_b.reshape(1, -1))

# --- scband reference (transcript-rebuilt; emitter-appended) ---
"""Pipeline reference for scband-gcn-regressor-46119358824917 (READ-ONLY COPY).

The authoritative reference and input builder live on the scoring server;
editing this copy changes nothing except your own understanding.
"""

import jax, jax.numpy as jnp
import numpy as np

N = 10000
E = 320000
D = 128
H = 128
G = 256
R1, R2, R3, OUT = 128, 64, 32, 1


def setup_inputs(seed: int = 0) -> dict:
    key = jax.random.key(seed)
    ks = jax.random.split(key, 24)
    inp = {}
    inp['x'] = jax.random.normal(ks[0], (N, D), dtype=jnp.float32)
    inp['edge_index'] = jax.random.randint(ks[1], (2, E), 0, N, dtype=jnp.int32)
    inp['batch'] = jnp.sort(jax.random.randint(ks[2], (N,), 0, G, dtype=jnp.int32))
    inp['reactant_natoms'] = jax.random.uniform(ks[3], (G,), dtype=jnp.float32)
    inp['reactant_nbonds'] = jax.random.uniform(ks[4], (G,), dtype=jnp.float32)
    inp['reactant_mw'] = jax.random.uniform(ks[5], (G,), dtype=jnp.float32)
    # GCNConv weights (stored [in, out]) and biases
    inp['W1'] = jax.random.normal(ks[6], (D, H), dtype=jnp.float32) / np.sqrt(D)
    inp['b1'] = jnp.zeros((H,), dtype=jnp.float32)
    inp['W2'] = jax.random.normal(ks[7], (H, H), dtype=jnp.float32) / np.sqrt(H)
    inp['b2'] = jnp.zeros((H,), dtype=jnp.float32)
    inp['W3'] = jax.random.normal(ks[8], (H, D), dtype=jnp.float32) / np.sqrt(H)
    inp['b3'] = jnp.zeros((D,), dtype=jnp.float32)
    # regressor MLP
    inp['fc1_W'] = jax.random.normal(ks[9], (D + 1, R1), dtype=jnp.float32) / np.sqrt(D + 1)
    inp['fc1_b'] = jnp.zeros((R1,), dtype=jnp.float32)
    inp['fc2_W'] = jax.random.normal(ks[10], (R1, R2), dtype=jnp.float32) / np.sqrt(R1)
    inp['fc2_b'] = jnp.zeros((R2,), dtype=jnp.float32)
    inp['fc3_W'] = jax.random.normal(ks[11], (R2, R3), dtype=jnp.float32) / np.sqrt(R2)
    inp['fc3_b'] = jnp.zeros((R3,), dtype=jnp.float32)
    inp['fc4_W'] = jax.random.normal(ks[12], (R3, OUT), dtype=jnp.float32) / np.sqrt(R3)
    inp['fc4_b'] = jnp.zeros((OUT,), dtype=jnp.float32)
    return inp


def _gcn_conv(x, edge_index, W, b):
    # PyG GCNConv: add self-loops, symmetric normalization, linear transform, scatter-add, bias
    src = edge_index[0]
    dst = edge_index[1]
    loop = jnp.arange(N, dtype=src.dtype)
    src = jnp.concatenate([src, loop])
    dst = jnp.concatenate([dst, loop])
    deg = jax.ops.segment_sum(jnp.ones(src.shape[0], dtype=x.dtype), dst, num_segments=N)
    dinv = jnp.where(deg > 0, jax.lax.rsqrt(jnp.maximum(deg, 1e-12)), 0.0)
    norm = dinv[src] * dinv[dst]
    h = x @ W
    msg = jnp.take(h, src, axis=0) * norm[:, None]
    out = jax.ops.segment_sum(msg, dst, num_segments=N)
    return out + b


def reference(x, edge_index, batch, reactant_natoms, reactant_nbonds, reactant_mw,
              W1, b1, W2, b2, W3, b3,
              fc1_W, fc1_b, fc2_W, fc2_b, fc3_W, fc3_b, fc4_W, fc4_b):
    h = jnp.tanh(_gcn_conv(x, edge_index, W1, b1))
    # dropout(p=0.5, training=False) -> identity in eval mode
    h = jnp.tanh(_gcn_conv(h, edge_index, W2, b2))
    h = _gcn_conv(h, edge_index, W3, b3)
    global_features = jnp.stack([reactant_natoms, reactant_nbonds, reactant_mw], axis=1)  # [G, 3]
    x_global = global_features.mean(axis=1)  # [G]
    x_global = jnp.take(x_global, batch, axis=0)[:, None]  # [N, 1]
    h = jnp.concatenate([h, x_global], axis=1)  # [N, D+1]
    # global mean pool over graphs
    sums = jax.ops.segment_sum(h, batch, num_segments=G)
    cnt = jax.ops.segment_sum(jnp.ones(N, dtype=h.dtype), batch, num_segments=G)
    pooled = sums / jnp.maximum(cnt, 1.0)[:, None]
    o = jax.nn.relu(pooled @ fc1_W + fc1_b)
    o = jax.nn.relu(o @ fc2_W + fc2_b)
    o = jax.nn.relu(o @ fc3_W + fc3_b)
    o = o @ fc4_W + fc4_b
    return o

if __name__ == "__main__":
    import jax
    _d = setup_inputs()
    print(jax.jit(kernel)(*tuple(_d.values())))

</pallas_src>

<mosaic_0001>
#map = affine_map<(d0, d1) -> (0, 0)>
#map1 = affine_map<(d0, d1) -> (0, 0, 0)>
module attributes {stable_mosaic.version = 14 : i64} {
  func.func @k(%arg0: i32, %arg1: i32, %arg2: memref<10000x128xf32, #tpu.memory_space<hbm>>, %arg3: memref<32x79x128xi32, #tpu.memory_space<hbm>>, %arg4: memref<32x79x128xi32, #tpu.memory_space<hbm>>, %arg5: memref<10112x128xf32, #tpu.memory_space<hbm>>, %arg6: memref<2x10112x128xf32, #tpu.memory_space<hbm>>, %arg7: memref<79x128xi32, #tpu.memory_space<vmem>>, %arg8: memref<79x128xi32, #tpu.memory_space<vmem>>, %arg9: memref<128x128xf32, #tpu.memory_space<vmem>>, %arg10: memref<10112x128xf32, #tpu.memory_space<vmem_shared>>, %arg11: memref<!tpu.dma_semaphore, #tpu.memory_space<semaphore_mem>>) attributes {dimension_semantics = [#tpu.dimension_semantics<core_parallel>, #tpu.dimension_semantics<subcore_parallel>], iteration_bounds = array<i64: 2, 16>, scalar_prefetch = 0 : i64, scratch_operands = 5 : i64, tpu.core_type = #tpu.core_type<sc_vector_subcore>, window_params = [{transform_indices = #map}, {transform_indices = #map1}, {transform_indices = #map1}, {transform_indices = #map}, {transform_indices = #map1}]} {
    %mul3A = arith.constant 2 : i32
    %mul3A_0 = arith.muli %arg1, %mul3A : i32
    %add3A = arith.addi %mul3A_0, %arg0 : i32
    %mul3A_1 = arith.constant 632 : i32
    %mul3A_2 = arith.muli %arg1, %mul3A_1 : i32
    %mul3A_3 = arith.constant 632 : i32
    %mul3A_4 = arith.muli %arg1, %mul3A_3 : i32
    "tpu.region"() ({
      %run_scoped3A = tpu.sem_alloc : memref<!tpu.dma_semaphore, #tpu.memory_space<semaphore_mem>>
      %dma_start3A = arith.constant 0 : i32
      %dma_start3A_14 = tpu.memref_slice %arg10[%mul3A_4, %dma_start3A] : memref<10112x128xf32, #tpu.memory_space<vmem_shared>> -> memref<632x128xf32, #tpu.memory_space<vmem_shared>>
      %dma_start3A_15 = arith.constant 0 : i32
      %dma_start3A_16 = tpu.memref_slice %arg5[%mul3A_2, %dma_start3A_15] : memref<10112x128xf32, #tpu.memory_space<hbm>> -> memref<632x128xf32, #tpu.memory_space<hbm>>
      tpu.enqueue_dma source(%dma_start3A_16 : memref<632x128xf32, #tpu.memory_space<hbm>>) target(%dma_start3A_14 : memref<632x128xf32, #tpu.memory_space<vmem_shared>>) target_semaphore(%run_scoped3A : memref<!tpu.dma_semaphore, #tpu.memory_space<semaphore_mem>>)
      %dma_wait3A = arith.constant 0 : i32
      %dma_wait3A_17 = tpu.memref_slice %arg10[%mul3A_4, %dma_wait3A] : memref<10112x128xf32, #tpu.memory_space<vmem_shared>> -> memref<632x128xf32, #tpu.memory_space<vmem_shared>>
      %dma_wait3A_18 = arith.constant 0 : i32
      %dma_wait3A_19 = tpu.memref_slice %arg5[%mul3A_2, %dma_wait3A_18] : memref<10112x128xf32, #tpu.memory_space<hbm>> -> memref<632x128xf32, #tpu.memory_space<hbm>>
      tpu.wait_dma2 semaphore(%run_scoped3A : memref<!tpu.dma_semaphore, #tpu.memory_space<semaphore_mem>>) src(%dma_wait3A_19 : memref<632x128xf32, #tpu.memory_space<hbm>>) dst(%dma_wait3A_17 : memref<632x128xf32, #tpu.memory_space<vmem_shared>>)
      tpu.yield
    }) : () -> ()
    "tpu.region"() ({
      %run_scoped3A = tpu.sem_alloc : memref<!tpu.dma_semaphore, #tpu.memory_space<semaphore_mem>>
      %dma_start3A = arith.constant 0 : i32
      %dma_start3A_14 = arith.constant 0 : i32
      %dma_start3A_15 = tpu.memref_slice %arg3[%add3A, %dma_start3A, %dma_start3A_14] : memref<32x79x128xi32, #tpu.memory_space<hbm>> -> memref<1x79x128xi32, #tpu.memory_space<hbm>>
      %dma_start3A_16 = tpu.memref_squeeze %dma_start3A_15 : memref<1x79x128xi32, #tpu.memory_space<hbm>> -> memref<79x128xi32, #tpu.memory_space<hbm>>
      %dma_start3A_17 = arith.constant 0 : i32
      %dma_start3A_18 = arith.constant 0 : i32
      %dma_start3A_19 = tpu.memref_slice %arg3[%add3A, %dma_start3A_17, %dma_start3A_18] : memref<32x79x128xi32, #tpu.memory_space<hbm>> -> memref<1x79x128xi32, #tpu.memory_space<hbm>>
      %dma_start3A_20 = tpu.memref_squeeze %dma_start3A_19 : memref<1x79x128xi32, #tpu.memory_space<hbm>> -> memref<79x128xi32, #tpu.memory_space<hbm>>
      tpu.enqueue_dma source(%dma_start3A_20 : memref<79x128xi32, #tpu.memory_space<hbm>>) target(%arg7 : memref<79x128xi32, #tpu.memory_space<vmem>>) target_semaphore(%run_scoped3A : memref<!tpu.dma_semaphore, #tpu.memory_space<semaphore_mem>>)
      %dma_wait3A = arith.constant 0 : i32
      %dma_wait3A_21 = arith.constant 0 : i32
      %dma_wait3A_22 = tpu.memref_slice %arg3[%add3A, %dma_wait3A, %dma_wait3A_21] : memref<32x79x128xi32, #tpu.memory_space<hbm>> -> memref<1x79x128xi32, #tpu.memory_space<hbm>>
      %dma_wait3A_23 = tpu.memref_squeeze %dma_wait3A_22 : memref<1x79x128xi32, #tpu.memory_space<hbm>> -> memref<79x128xi32, #tpu.memory_space<hbm>>
      %dma_wait3A_24 = arith.constant 0 : i32
      %dma_wait3A_25 = arith.constant 0 : i32
      %dma_wait3A_26 = tpu.memref_slice %arg3[%add3A, %dma_wait3A_24, %dma_wait3A_25] : memref<32x79x128xi32, #tpu.memory_space<hbm>> -> memref<1x79x128xi32, #tpu.memory_space<hbm>>
      %dma_wait3A_27 = tpu.memref_squeeze %dma_wait3A_26 : memref<1x79x128xi32, #tpu.memory_space<hbm>> -> memref<79x128xi32, #tpu.memory_space<hbm>>
      tpu.wait_dma2 semaphore(%run_scoped3A : memref<!tpu.dma_semaphore, #tpu.memory_space<semaphore_mem>>) src(%dma_wait3A_27 : memref<79x128xi32, #tpu.memory_space<hbm>>) dst(%arg7 : memref<79x128xi32, #tpu.memory_space<vmem>>)
      tpu.yield
    }) : () -> ()
    "tpu.region"() ({
      %run_scoped3A = tpu.sem_alloc : memref<!tpu.dma_semaphore, #tpu.memory_space<semaphore_mem>>
      %dma_start3A = arith.constant 0 : i32
      %dma_start3A_14 = arith.constant 0 : i32
      %dma_start3A_15 = tpu.memref_slice %arg4[%add3A, %dma_start3A, %dma_start3A_14] : memref<32x79x128xi32, #tpu.memory_space<hbm>> -> memref<1x79x128xi32, #tpu.memory_space<hbm>>
      %dma_start3A_16 = tpu.memref_squeeze %dma_start3A_15 : memref<1x79x128xi32, #tpu.memory_space<hbm>> -> memref<79x128xi32, #tpu.memory_space<hbm>>
      %dma_start3A_17 = arith.constant 0 : i32
      %dma_start3A_18 = arith.constant 0 : i32
      %dma_start3A_19 = tpu.memref_slice %arg4[%add3A, %dma_start3A_17, %dma_start3A_18] : memref<32x79x128xi32, #tpu.memory_space<hbm>> -> memref<1x79x128xi32, #tpu.memory_space<hbm>>
      %dma_start3A_20 = tpu.memref_squeeze %dma_start3A_19 : memref<1x79x128xi32, #tpu.memory_space<hbm>> -> memref<79x128xi32, #tpu.memory_space<hbm>>
      tpu.enqueue_dma source(%dma_start3A_20 : memref<79x128xi32, #tpu.memory_space<hbm>>) target(%arg8 : memref<79x128xi32, #tpu.memory_space<vmem>>) target_semaphore(%run_scoped3A : memref<!tpu.dma_semaphore, #tpu.memory_space<semaphore_mem>>)
      %dma_wait3A = arith.constant 0 : i32
      %dma_wait3A_21 = arith.constant 0 : i32
      %dma_wait3A_22 = tpu.memref_slice %arg4[%add3A, %dma_wait3A, %dma_wait3A_21] : memref<32x79x128xi32, #tpu.memory_space<hbm>> -> memref<1x79x128xi32, #tpu.memory_space<hbm>>
      %dma_wait3A_23 = tpu.memref_squeeze %dma_wait3A_22 : memref<1x79x128xi32, #tpu.memory_space<hbm>> -> memref<79x128xi32, #tpu.memory_space<hbm>>
      %dma_wait3A_24 = arith.constant 0 : i32
      %dma_wait3A_25 = arith.constant 0 : i32
      %dma_wait3A_26 = tpu.memref_slice %arg4[%add3A, %dma_wait3A_24, %dma_wait3A_25] : memref<32x79x128xi32, #tpu.memory_space<hbm>> -> memref<1x79x128xi32, #tpu.memory_space<hbm>>
      %dma_wait3A_27 = tpu.memref_squeeze %dma_wait3A_26 : memref<1x79x128xi32, #tpu.memory_space<hbm>> -> memref<79x128xi32, #tpu.memory_space<hbm>>
      tpu.wait_dma2 semaphore(%run_scoped3A : memref<!tpu.dma_semaphore, #tpu.memory_space<semaphore_mem>>) src(%dma_wait3A_27 : memref<79x128xi32, #tpu.memory_space<hbm>>) dst(%arg8 : memref<79x128xi32, #tpu.memory_space<vmem>>)
      tpu.yield
    }) : () -> ()
    %barrier3A = arith.constant 0 : index
    tpu.barrier barrier_id(%barrier3A)
    %scan3A = arith.constant 0 : i32
    %scan3A_5 = arith.constant 79 : i32
    %scan3A_6 = arith.addi %scan3A, %scan3A_5 : i32
    %scan3A_7 = arith.constant 1 : i32
    scf.for %scan3A_14 = %scan3A to %scan3A_6 step %scan3A_7  : i32 {
      %mul3A_15 = arith.constant 1 : i32
      %mul3A_16 = arith.muli %scan3A_14, %mul3A_15 : i32
      %add3A_17 = arith.constant 0 : i32
      %add3A_18 = arith.addi %add3A_17, %mul3A_16 : i32
      %dma_start3A = arith.constant 0 : i32
      %dma_start3A_19 = tpu.memref_slice %arg7[%add3A_18, %dma_start3A] : memref<79x128xi32, #tpu.memory_space<vmem>> -> memref<1x128xi32, #tpu.memory_space<vmem>>
      %dma_start3A_20 = tpu.memref_squeeze %dma_start3A_19 : memref<1x128xi32, #tpu.memory_space<vmem>> -> memref<128xi32, #tpu.memory_space<vmem>>
      %dma_start3A_21 = arith.constant 0 : i32
      %dma_start3A_22 = arith.constant 0 : i32
      %dma_start3A_23 = tpu.memref_slice %arg2[%dma_start3A_21, %dma_start3A_22] : memref<10000x128xf32, #tpu.memory_space<hbm>> -> memref<10000x128xf32, #tpu.memory_space<hbm>>
      tpu.enqueue_indirect_dma source(%dma_start3A_23 : memref<10000x128xf32, #tpu.memory_space<hbm>>) target(%arg9 : memref<128x128xf32, #tpu.memory_space<vmem>>) offsets(%dma_start3A_20 : memref<128xi32, #tpu.memory_space<vmem>>) semaphore(%arg11 : memref<!tpu.dma_semaphore, #tpu.memory_space<semaphore_mem>>)
      %dma_wait3A = arith.constant 0 : i32
      %dma_wait3A_24 = tpu.memref_slice %arg7[%add3A_18, %dma_wait3A] : memref<79x128xi32, #tpu.memory_space<vmem>> -> memref<1x128xi32, #tpu.memory_space<vmem>>
      %dma_wait3A_25 = tpu.memref_squeeze %dma_wait3A_24 : memref<1x128xi32, #tpu.memory_space<vmem>> -> memref<128xi32, #tpu.memory_space<vmem>>
      %dma_wait3A_26 = arith.constant 0 : i32
      %dma_wait3A_27 = arith.constant 0 : i32
      %dma_wait3A_28 = tpu.memref_slice %arg2[%dma_wait3A_26, %dma_wait3A_27] : memref<10000x128xf32, #tpu.memory_space<hbm>> -> memref<10000x128xf32, #tpu.memory_space<hbm>>
      tpu.wait_indirect_dma semaphore(%arg11 : memref<!tpu.dma_semaphore, #tpu.memory_space<semaphore_mem>>) src(%dma_wait3A_28 : memref<10000x128xf32, #tpu.memory_space<hbm>>) dst(%arg9 : memref<128x128xf32, #tpu.memory_space<vmem>>)
      "tpu.region"() ({
        %run_scoped3A = tpu.sem_alloc : memref<!tpu.dma_semaphore, #tpu.memory_space<semaphore_mem>>
        %dma_start3A_29 = arith.constant 0 : i32
        %dma_start3A_30 = tpu.memref_slice %arg8[%add3A_18, %dma_start3A_29] : memref<79x128xi32, #tpu.memory_space<vmem>> -> memref<1x128xi32, #tpu.memory_space<vmem>>
        %dma_start3A_31 = tpu.memref_squeeze %dma_start3A_30 : memref<1x128xi32, #tpu.memory_space<vmem>> -> memref<128xi32, #tpu.memory_space<vmem>>
        %dma_start3A_32 = arith.constant 0 : i32
        %dma_start3A_33 = arith.constant 0 : i32
        %dma_start3A_34 = tpu.memref_slice %arg10[%dma_start3A_32, %dma_start3A_33] : memref<10112x128xf32, #tpu.memory_space<vmem_shared>> -> memref<10112x128xf32, #tpu.memory_space<vmem_shared>>
        tpu.enqueue_indirect_dma source(%arg9 : memref<128x128xf32, #tpu.memory_space<vmem>>) target(%dma_start3A_34 : memref<10112x128xf32, #tpu.memory_space<vmem_shared>>) offsets(%dma_start3A_31 : memref<128xi32, #tpu.memory_space<vmem>>) semaphore(%run_scoped3A : memref<!tpu.dma_semaphore, #tpu.memory_space<semaphore_mem>>) {add = true}
        %dma_wait3A_35 = arith.constant 0 : i32
        %dma_wait3A_36 = tpu.memref_slice %arg8[%add3A_18, %dma_wait3A_35] : memref<79x128xi32, #tpu.memory_space<vmem>> -> memref<1x128xi32, #tpu.memory_space<vmem>>
        %dma_wait3A_37 = tpu.memref_squeeze %dma_wait3A_36 : memref<1x128xi32, #tpu.memory_space<vmem>> -> memref<128xi32, #tpu.memory_space<vmem>>
        %dma_wait3A_38 = arith.constant 0 : i32
        %dma_wait3A_39 = arith.constant 0 : i32
        %dma_wait3A_40 = tpu.memref_slice %arg10[%dma_wait3A_38, %dma_wait3A_39] : memref<10112x128xf32, #tpu.memory_space<vmem_shared>> -> memref<10112x128xf32, #tpu.memory_space<vmem_shared>>
        tpu.wait_indirect_dma semaphore(%run_scoped3A : memref<!tpu.dma_semaphore, #tpu.memory_space<semaphore_mem>>) src(%arg9 : memref<128x128xf32, #tpu.memory_space<vmem>>) dst(%dma_wait3A_40 : memref<10112x128xf32, #tpu.memory_space<vmem_shared>>)
        tpu.yield
      }) : () -> ()
    }
    %scan3A_8 = arith.constant 79 : i32
    %barrier3A_9 = arith.constant 0 : index
    tpu.barrier barrier_id(%barrier3A_9)
    %mul3A_10 = arith.constant 632 : i32
    %mul3A_11 = arith.muli %arg1, %mul3A_10 : i32
    %mul3A_12 = arith.constant 632 : i32
    %mul3A_13 = arith.muli %arg1, %mul3A_12 : i32
    "tpu.region"() ({
      %run_scoped3A = tpu.sem_alloc : memref<!tpu.dma_semaphore, #tpu.memory_space<semaphore_mem>>
      %dma_start3A = arith.constant 0 : i32
      %dma_start3A_14 = tpu.memref_slice %arg6[%arg0, %mul3A_13, %dma_start3A] : memref<2x10112x128xf32, #tpu.memory_space<hbm>> -> memref<1x632x128xf32, #tpu.memory_space<hbm>>
      %dma_start3A_15 = tpu.memref_squeeze %dma_start3A_14 : memref<1x632x128xf32, #tpu.memory_space<hbm>> -> memref<632x128xf32, #tpu.memory_space<hbm>>
      %dma_start3A_16 = arith.constant 0 : i32
      %dma_start3A_17 = tpu.memref_slice %arg10[%mul3A_11, %dma_start3A_16] : memref<10112x128xf32, #tpu.memory_space<vmem_shared>> -> memref<632x128xf32, #tpu.memory_space<vmem_shared>>
      tpu.enqueue_dma source(%dma_start3A_17 : memref<632x128xf32, #tpu.memory_space<vmem_shared>>) target(%dma_start3A_15 : memref<632x128xf32, #tpu.memory_space<hbm>>) target_semaphore(%run_scoped3A : memref<!tpu.dma_semaphore, #tpu.memory_space<semaphore_mem>>)
      %dma_wait3A = arith.constant 0 : i32
      %dma_wait3A_18 = tpu.memref_slice %arg6[%arg0, %mul3A_13, %dma_wait3A] : memref<2x10112x128xf32, #tpu.memory_space<hbm>> -> memref<1x632x128xf32, #tpu.memory_space<hbm>>
      %dma_wait3A_19 = tpu.memref_squeeze %dma_wait3A_18 : memref<1x632x128xf32, #tpu.memory_space<hbm>> -> memref<632x128xf32, #tpu.memory_space<hbm>>
      %dma_wait3A_20 = arith.constant 0 : i32
      %dma_wait3A_21 = tpu.memref_slice %arg10[%mul3A_11, %dma_wait3A_20] : memref<10112x128xf32, #tpu.memory_space<vmem_shared>> -> memref<632x128xf32, #tpu.memory_space<vmem_shared>>
      tpu.wait_dma2 semaphore(%run_scoped3A : memref<!tpu.dma_semaphore, #tpu.memory_space<semaphore_mem>>) src(%dma_wait3A_21 : memref<632x128xf32, #tpu.memory_space<vmem_shared>>) dst(%dma_wait3A_19 : memref<632x128xf32, #tpu.memory_space<hbm>>)
      tpu.yield
    }) : () -> ()
    return
  }
}

#map = affine_map<(d0, d1) -> (0, 0, 0)>
#map1 = affine_map<(d0, d1) -> (0, 0)>
module attributes {stable_mosaic.version = 14 : i64} {
  func.func @k(%arg0: i32, %arg1: i32, %arg2: memref<32x79x128xi32, #tpu.memory_space<hbm>>, %arg3: memref<10112x128xf32, #tpu.memory_space<hbm>>, %arg4: memref<128x128xf32, #tpu.memory_space<hbm>>, %arg5: memref<2x10112x128xf32, #tpu.memory_space<hbm>>, %arg6: memref<79x128xi32, #tpu.memory_space<vmem>>, %arg7: memref<128x128xf32, #tpu.memory_space<vmem>>, %arg8: memref<10112x128xf32, #tpu.memory_space<vmem_shared>>, %arg9: memref<!tpu.dma_semaphore, #tpu.memory_space<semaphore_mem>>) attributes {dimension_semantics = [#tpu.dimension_semantics<core_parallel>, #tpu.dimension_semantics<subcore_parallel>], iteration_bounds = array<i64: 2, 16>, scalar_prefetch = 0 : i64, scratch_operands = 4 : i64, tpu.core_type = #tpu.core_type<sc_vector_subcore>, window_params = [{transform_indices = #map}, {transform_indices = #map1}, {transform_indices = #map1}, {transform_indices = #map}]} {
    %mul3A = arith.constant 2 : i32
    %mul3A_0 = arith.muli %arg1, %mul3A : i32
    %add3A = arith.addi %mul3A_0, %arg0 : i32
    %mul3A_1 = arith.constant 632 : i32
    %mul3A_2 = arith.muli %arg1, %mul3A_1 : i32
    %mul3A_3 = arith.constant 632 : i32
    %mul3A_4 = arith.muli %arg1, %mul3A_3 : i32
    "tpu.region"() ({
      %run_scoped3A = tpu.sem_alloc : memref<!tpu.dma_semaphore, #tpu.memory_space<semaphore_mem>>
      %dma_start3A = arith.constant 0 : i32
      %dma_start3A_14 = tpu.memref_slice %arg8[%mul3A_4, %dma_start3A] : memref<10112x128xf32, #tpu.memory_space<vmem_shared>> -> memref<632x128xf32, #tpu.memory_space<vmem_shared>>
      %dma_start3A_15 = arith.constant 0 : i32
      %dma_start3A_16 = tpu.memref_slice %arg3[%mul3A_2, %dma_start3A_15] : memref<10112x128xf32, #tpu.memory_space<hbm>> -> memref<632x128xf32, #tpu.memory_space<hbm>>
      tpu.enqueue_dma source(%dma_start3A_16 : memref<632x128xf32, #tpu.memory_space<hbm>>) target(%dma_start3A_14 : memref<632x128xf32, #tpu.memory_space<vmem_shared>>) target_semaphore(%run_scoped3A : memref<!tpu.dma_semaphore, #tpu.memory_space<semaphore_mem>>)
      %dma_wait3A = arith.constant 0 : i32
      %dma_wait3A_17 = tpu.memref_slice %arg8[%mul3A_4, %dma_wait3A] : memref<10112x128xf32, #tpu.memory_space<vmem_shared>> -> memref<632x128xf32, #tpu.memory_space<vmem_shared>>
      %dma_wait3A_18 = arith.constant 0 : i32
      %dma_wait3A_19 = tpu.memref_slice %arg3[%mul3A_2, %dma_wait3A_18] : memref<10112x128xf32, #tpu.memory_space<hbm>> -> memref<632x128xf32, #tpu.memory_space<hbm>>
      tpu.wait_dma2 semaphore(%run_scoped3A : memref<!tpu.dma_semaphore, #tpu.memory_space<semaphore_mem>>) src(%dma_wait3A_19 : memref<632x128xf32, #tpu.memory_space<hbm>>) dst(%dma_wait3A_17 : memref<632x128xf32, #tpu.memory_space<vmem_shared>>)
      tpu.yield
    }) : () -> ()
    "tpu.region"() ({
      %run_scoped3A = tpu.sem_alloc : memref<!tpu.dma_semaphore, #tpu.memory_space<semaphore_mem>>
      %dma_start3A = arith.constant 0 : i32
      %dma_start3A_14 = arith.constant 0 : i32
      %dma_start3A_15 = tpu.memref_slice %arg2[%add3A, %dma_start3A, %dma_start3A_14] : memref<32x79x128xi32, #tpu.memory_space<hbm>> -> memref<1x79x128xi32, #tpu.memory_space<hbm>>
      %dma_start3A_16 = tpu.memref_squeeze %dma_start3A_15 : memref<1x79x128xi32, #tpu.memory_space<hbm>> -> memref<79x128xi32, #tpu.memory_space<hbm>>
      %dma_start3A_17 = arith.constant 0 : i32
      %dma_start3A_18 = arith.constant 0 : i32
      %dma_start3A_19 = tpu.memref_slice %arg2[%add3A, %dma_start3A_17, %dma_start3A_18] : memref<32x79x128xi32, #tpu.memory_space<hbm>> -> memref<1x79x128xi32, #tpu.memory_space<hbm>>
      %dma_start3A_20 = tpu.memref_squeeze %dma_start3A_19 : memref<1x79x128xi32, #tpu.memory_space<hbm>> -> memref<79x128xi32, #tpu.memory_space<hbm>>
      tpu.enqueue_dma source(%dma_start3A_20 : memref<79x128xi32, #tpu.memory_space<hbm>>) target(%arg6 : memref<79x128xi32, #tpu.memory_space<vmem>>) target_semaphore(%run_scoped3A : memref<!tpu.dma_semaphore, #tpu.memory_space<semaphore_mem>>)
      %dma_wait3A = arith.constant 0 : i32
      %dma_wait3A_21 = arith.constant 0 : i32
      %dma_wait3A_22 = tpu.memref_slice %arg2[%add3A, %dma_wait3A, %dma_wait3A_21] : memref<32x79x128xi32, #tpu.memory_space<hbm>> -> memref<1x79x128xi32, #tpu.memory_space<hbm>>
      %dma_wait3A_23 = tpu.memref_squeeze %dma_wait3A_22 : memref<1x79x128xi32, #tpu.memory_space<hbm>> -> memref<79x128xi32, #tpu.memory_space<hbm>>
      %dma_wait3A_24 = arith.constant 0 : i32
      %dma_wait3A_25 = arith.constant 0 : i32
      %dma_wait3A_26 = tpu.memref_slice %arg2[%add3A, %dma_wait3A_24, %dma_wait3A_25] : memref<32x79x128xi32, #tpu.memory_space<hbm>> -> memref<1x79x128xi32, #tpu.memory_space<hbm>>
      %dma_wait3A_27 = tpu.memref_squeeze %dma_wait3A_26 : memref<1x79x128xi32, #tpu.memory_space<hbm>> -> memref<79x128xi32, #tpu.memory_space<hbm>>
      tpu.wait_dma2 semaphore(%run_scoped3A : memref<!tpu.dma_semaphore, #tpu.memory_space<semaphore_mem>>) src(%dma_wait3A_27 : memref<79x128xi32, #tpu.memory_space<hbm>>) dst(%arg6 : memref<79x128xi32, #tpu.memory_space<vmem>>)
      tpu.yield
    }) : () -> ()
    tpu.enqueue_dma source(%arg4 : memref<128x128xf32, #tpu.memory_space<hbm>>) target(%arg7 : memref<128x128xf32, #tpu.memory_space<vmem>>) target_semaphore(%arg9 : memref<!tpu.dma_semaphore, #tpu.memory_space<semaphore_mem>>)
    tpu.wait_dma2 semaphore(%arg9 : memref<!tpu.dma_semaphore, #tpu.memory_space<semaphore_mem>>) src(%arg4 : memref<128x128xf32, #tpu.memory_space<hbm>>) dst(%arg7 : memref<128x128xf32, #tpu.memory_space<vmem>>)
    %barrier3A = arith.constant 0 : index
    tpu.barrier barrier_id(%barrier3A)
    %scan3A = arith.constant 0 : i32
    %scan3A_5 = arith.constant 79 : i32
    %scan3A_6 = arith.addi %scan3A, %scan3A_5 : i32
    %scan3A_7 = arith.constant 1 : i32
    scf.for %scan3A_14 = %scan3A to %scan3A_6 step %scan3A_7  : i32 {
      %mul3A_15 = arith.constant 1 : i32
      %mul3A_16 = arith.muli %scan3A_14, %mul3A_15 : i32
      %add3A_17 = arith.constant 0 : i32
      %add3A_18 = arith.addi %add3A_17, %mul3A_16 : i32
      "tpu.region"() ({
        %run_scoped3A = tpu.sem_alloc : memref<!tpu.dma_semaphore, #tpu.memory_space<semaphore_mem>>
        %dma_start3A = arith.constant 0 : i32
        %dma_start3A_19 = tpu.memref_slice %arg6[%add3A_18, %dma_start3A] : memref<79x128xi32, #tpu.memory_space<vmem>> -> memref<1x128xi32, #tpu.memory_space<vmem>>
        %dma_start3A_20 = tpu.memref_squeeze %dma_start3A_19 : memref<1x128xi32, #tpu.memory_space<vmem>> -> memref<128xi32, #tpu.memory_space<vmem>>
        %dma_start3A_21 = arith.constant 0 : i32
        %dma_start3A_22 = arith.constant 0 : i32
        %dma_start3A_23 = tpu.memref_slice %arg8[%dma_start3A_21, %dma_start3A_22] : memref<10112x128xf32, #tpu.memory_space<vmem_shared>> -> memref<10112x128xf32, #tpu.memory_space<vmem_shared>>
        tpu.enqueue_indirect_dma source(%arg7 : memref<128x128xf32, #tpu.memory_space<vmem>>) target(%dma_start3A_23 : memref<10112x128xf32, #tpu.memory_space<vmem_shared>>) offsets(%dma_start3A_20 : memref<128xi32, #tpu.memory_space<vmem>>) semaphore(%run_scoped3A : memref<!tpu.dma_semaphore, #tpu.memory_space<semaphore_mem>>) {add = true}
        %dma_wait3A = arith.constant 0 : i32
        %dma_wait3A_24 = tpu.memref_slice %arg6[%add3A_18, %dma_wait3A] : memref<79x128xi32, #tpu.memory_space<vmem>> -> memref<1x128xi32, #tpu.memory_space<vmem>>
        %dma_wait3A_25 = tpu.memref_squeeze %dma_wait3A_24 : memref<1x128xi32, #tpu.memory_space<vmem>> -> memref<128xi32, #tpu.memory_space<vmem>>
        %dma_wait3A_26 = arith.constant 0 : i32
        %dma_wait3A_27 = arith.constant 0 : i32
        %dma_wait3A_28 = tpu.memref_slice %arg8[%dma_wait3A_26, %dma_wait3A_27] : memref<10112x128xf32, #tpu.memory_space<vmem_shared>> -> memref<10112x128xf32, #tpu.memory_space<vmem_shared>>
        tpu.wait_indirect_dma semaphore(%run_scoped3A : memref<!tpu.dma_semaphore, #tpu.memory_space<semaphore_mem>>) src(%arg7 : memref<128x128xf32, #tpu.memory_space<vmem>>) dst(%dma_wait3A_28 : memref<10112x128xf32, #tpu.memory_space<vmem_shared>>)
        tpu.yield
      }) : () -> ()
    }
    %scan3A_8 = arith.constant 79 : i32
    %barrier3A_9 = arith.constant 0 : index
    tpu.barrier barrier_id(%barrier3A_9)
    %mul3A_10 = arith.constant 632 : i32
    %mul3A_11 = arith.muli %arg1, %mul3A_10 : i32
    %mul3A_12 = arith.constant 632 : i32
    %mul3A_13 = arith.muli %arg1, %mul3A_12 : i32
    "tpu.region"() ({
      %run_scoped3A = tpu.sem_alloc : memref<!tpu.dma_semaphore, #tpu.memory_space<semaphore_mem>>
      %dma_start3A = arith.constant 0 : i32
      %dma_start3A_14 = tpu.memref_slice %arg5[%arg0, %mul3A_13, %dma_start3A] : memref<2x10112x128xf32, #tpu.memory_space<hbm>> -> memref<1x632x128xf32, #tpu.memory_space<hbm>>
      %dma_start3A_15 = tpu.memref_squeeze %dma_start3A_14 : memref<1x632x128xf32, #tpu.memory_space<hbm>> -> memref<632x128xf32, #tpu.memory_space<hbm>>
      %dma_start3A_16 = arith.constant 0 : i32
      %dma_start3A_17 = tpu.memref_slice %arg8[%mul3A_11, %dma_start3A_16] : memref<10112x128xf32, #tpu.memory_space<vmem_shared>> -> memref<632x128xf32, #tpu.memory_space<vmem_shared>>
      tpu.enqueue_dma source(%dma_start3A_17 : memref<632x128xf32, #tpu.memory_space<vmem_shared>>) target(%dma_start3A_15 : memref<632x128xf32, #tpu.memory_space<hbm>>) target_semaphore(%run_scoped3A : memref<!tpu.dma_semaphore, #tpu.memory_space<semaphore_mem>>)
      %dma_wait3A = arith.constant 0 : i32
      %dma_wait3A_18 = tpu.memref_slice %arg5[%arg0, %mul3A_13, %dma_wait3A] : memref<2x10112x128xf32, #tpu.memory_space<hbm>> -> memref<1x632x128xf32, #tpu.memory_space<hbm>>
      %dma_wait3A_19 = tpu.memref_squeeze %dma_wait3A_18 : memref<1x632x128xf32, #tpu.memory_space<hbm>> -> memref<632x128xf32, #tpu.memory_space<hbm>>
      %dma_wait3A_20 = arith.constant 0 : i32
      %dma_wait3A_21 = tpu.memref_slice %arg8[%mul3A_11, %dma_wait3A_20] : memref<10112x128xf32, #tpu.memory_space<vmem_shared>> -> memref<632x128xf32, #tpu.memory_space<vmem_shared>>
      tpu.wait_dma2 semaphore(%run_scoped3A : memref<!tpu.dma_semaphore, #tpu.memory_space<semaphore_mem>>) src(%dma_wait3A_21 : memref<632x128xf32, #tpu.memory_space<vmem_shared>>) dst(%dma_wait3A_19 : memref<632x128xf32, #tpu.memory_space<hbm>>)
      tpu.yield
    }) : () -> ()
    return
  }
}

#map = affine_map<(d0, d1) -> (0, 0)>
#map1 = affine_map<(d0, d1) -> (0, 0, 0)>
module attributes {stable_mosaic.version = 14 : i64} {
  func.func @k(%arg0: i32, %arg1: i32, %arg2: memref<10000x128xf32, #tpu.memory_space<hbm>>, %arg3: memref<32x79x128xi32, #tpu.memory_space<hbm>>, %arg4: memref<32x79x128xi32, #tpu.memory_space<hbm>>, %arg5: memref<10112x128xf32, #tpu.memory_space<hbm>>, %arg6: memref<2x10112x128xf32, #tpu.memory_space<hbm>>, %arg7: memref<79x128xi32, #tpu.memory_space<vmem>>, %arg8: memref<79x128xi32, #tpu.memory_space<vmem>>, %arg9: memref<128x128xf32, #tpu.memory_space<vmem>>, %arg10: memref<10112x128xf32, #tpu.memory_space<vmem_shared>>, %arg11: memref<!tpu.dma_semaphore, #tpu.memory_space<semaphore_mem>>) attributes {dimension_semantics = [#tpu.dimension_semantics<core_parallel>, #tpu.dimension_semantics<subcore_parallel>], iteration_bounds = array<i64: 2, 16>, scalar_prefetch = 0 : i64, scratch_operands = 5 : i64, tpu.core_type = #tpu.core_type<sc_vector_subcore>, window_params = [{transform_indices = #map}, {transform_indices = #map1}, {transform_indices = #map1}, {transform_indices = #map}, {transform_indices = #map1}]} {
    %mul3A = arith.constant 2 : i32
    %mul3A_0 = arith.muli %arg1, %mul3A : i32
    %add3A = arith.addi %mul3A_0, %arg0 : i32
    %mul3A_1 = arith.constant 632 : i32
    %mul3A_2 = arith.muli %arg1, %mul3A_1 : i32
    %mul3A_3 = arith.constant 632 : i32
    %mul3A_4 = arith.muli %arg1, %mul3A_3 : i32
    "tpu.region"() ({
      %run_scoped3A = tpu.sem_alloc : memref<!tpu.dma_semaphore, #tpu.memory_space<semaphore_mem>>
      %dma_start3A = arith.constant 0 : i32
      %dma_start3A_14 = tpu.memref_slice %arg10[%mul3A_4, %dma_start3A] : memref<10112x128xf32, #tpu.memory_space<vmem_shared>> -> memref<632x128xf32, #tpu.memory_space<vmem_shared>>
      %dma_start3A_15 = arith.constant 0 : i32
      %dma_start3A_16 = tpu.memref_slice %arg5[%mul3A_2, %dma_start3A_15] : memref<10112x128xf32, #tpu.memory_space<hbm>> -> memref<632x128xf32, #tpu.memory_space<hbm>>
      tpu.enqueue_dma source(%dma_start3A_16 : memref<632x128xf32, #tpu.memory_space<hbm>>) target(%dma_start3A_14 : memref<632x128xf32, #tpu.memory_space<vmem_shared>>) target_semaphore(%run_scoped3A : memref<!tpu.dma_semaphore, #tpu.memory_space<semaphore_mem>>)
      %dma_wait3A = arith.constant 0 : i32
      %dma_wait3A_17 = tpu.memref_slice %arg10[%mul3A_4, %dma_wait3A] : memref<10112x128xf32, #tpu.memory_space<vmem_shared>> -> memref<632x128xf32, #tpu.memory_space<vmem_shared>>
      %dma_wait3A_18 = arith.constant 0 : i32
      %dma_wait3A_19 = tpu.memref_slice %arg5[%mul3A_2, %dma_wait3A_18] : memref<10112x128xf32, #tpu.memory_space<hbm>> -> memref<632x128xf32, #tpu.memory_space<hbm>>
      tpu.wait_dma2 semaphore(%run_scoped3A : memref<!tpu.dma_semaphore, #tpu.memory_space<semaphore_mem>>) src(%dma_wait3A_19 : memref<632x128xf32, #tpu.memory_space<hbm>>) dst(%dma_wait3A_17 : memref<632x128xf32, #tpu.memory_space<vmem_shared>>)
      tpu.yield
    }) : () -> ()
    "tpu.region"() ({
      %run_scoped3A = tpu.sem_alloc : memref<!tpu.dma_semaphore, #tpu.memory_space<semaphore_mem>>
      %dma_start3A = arith.constant 0 : i32
      %dma_start3A_14 = arith.constant 0 : i32
      %dma_start3A_15 = tpu.memref_slice %arg3[%add3A, %dma_start3A, %dma_start3A_14] : memref<32x79x128xi32, #tpu.memory_space<hbm>> -> memref<1x79x128xi32, #tpu.memory_space<hbm>>
      %dma_start3A_16 = tpu.memref_squeeze %dma_start3A_15 : memref<1x79x128xi32, #tpu.memory_space<hbm>> -> memref<79x128xi32, #tpu.memory_space<hbm>>
      %dma_start3A_17 = arith.constant 0 : i32
      %dma_start3A_18 = arith.constant 0 : i32
      %dma_start3A_19 = tpu.memref_slice %arg3[%add3A, %dma_start3A_17, %dma_start3A_18] : memref<32x79x128xi32, #tpu.memory_space<hbm>> -> memref<1x79x128xi32, #tpu.memory_space<hbm>>
      %dma_start3A_20 = tpu.memref_squeeze %dma_start3A_19 : memref<1x79x128xi32, #tpu.memory_space<hbm>> -> memref<79x128xi32, #tpu.memory_space<hbm>>
      tpu.enqueue_dma source(%dma_start3A_20 : memref<79x128xi32, #tpu.memory_space<hbm>>) target(%arg7 : memref<79x128xi32, #tpu.memory_space<vmem>>) target_semaphore(%run_scoped3A : memref<!tpu.dma_semaphore, #tpu.memory_space<semaphore_mem>>)
      %dma_wait3A = arith.constant 0 : i32
      %dma_wait3A_21 = arith.constant 0 : i32
      %dma_wait3A_22 = tpu.memref_slice %arg3[%add3A, %dma_wait3A, %dma_wait3A_21] : memref<32x79x128xi32, #tpu.memory_space<hbm>> -> memref<1x79x128xi32, #tpu.memory_space<hbm>>
      %dma_wait3A_23 = tpu.memref_squeeze %dma_wait3A_22 : memref<1x79x128xi32, #tpu.memory_space<hbm>> -> memref<79x128xi32, #tpu.memory_space<hbm>>
      %dma_wait3A_24 = arith.constant 0 : i32
      %dma_wait3A_25 = arith.constant 0 : i32
      %dma_wait3A_26 = tpu.memref_slice %arg3[%add3A, %dma_wait3A_24, %dma_wait3A_25] : memref<32x79x128xi32, #tpu.memory_space<hbm>> -> memref<1x79x128xi32, #tpu.memory_space<hbm>>
      %dma_wait3A_27 = tpu.memref_squeeze %dma_wait3A_26 : memref<1x79x128xi32, #tpu.memory_space<hbm>> -> memref<79x128xi32, #tpu.memory_space<hbm>>
      tpu.wait_dma2 semaphore(%run_scoped3A : memref<!tpu.dma_semaphore, #tpu.memory_space<semaphore_mem>>) src(%dma_wait3A_27 : memref<79x128xi32, #tpu.memory_space<hbm>>) dst(%arg7 : memref<79x128xi32, #tpu.memory_space<vmem>>)
      tpu.yield
    }) : () -> ()
    "tpu.region"() ({
      %run_scoped3A = tpu.sem_alloc : memref<!tpu.dma_semaphore, #tpu.memory_space<semaphore_mem>>
      %dma_start3A = arith.constant 0 : i32
      %dma_start3A_14 = arith.constant 0 : i32
      %dma_start3A_15 = tpu.memref_slice %arg4[%add3A, %dma_start3A, %dma_start3A_14] : memref<32x79x128xi32, #tpu.memory_space<hbm>> -> memref<1x79x128xi32, #tpu.memory_space<hbm>>
      %dma_start3A_16 = tpu.memref_squeeze %dma_start3A_15 : memref<1x79x128xi32, #tpu.memory_space<hbm>> -> memref<79x128xi32, #tpu.memory_space<hbm>>
      %dma_start3A_17 = arith.constant 0 : i32
      %dma_start3A_18 = arith.constant 0 : i32
      %dma_start3A_19 = tpu.memref_slice %arg4[%add3A, %dma_start3A_17, %dma_start3A_18] : memref<32x79x128xi32, #tpu.memory_space<hbm>> -> memref<1x79x128xi32, #tpu.memory_space<hbm>>
      %dma_start3A_20 = tpu.memref_squeeze %dma_start3A_19 : memref<1x79x128xi32, #tpu.memory_space<hbm>> -> memref<79x128xi32, #tpu.memory_space<hbm>>
      tpu.enqueue_dma source(%dma_start3A_20 : memref<79x128xi32, #tpu.memory_space<hbm>>) target(%arg8 : memref<79x128xi32, #tpu.memory_space<vmem>>) target_semaphore(%run_scoped3A : memref<!tpu.dma_semaphore, #tpu.memory_space<semaphore_mem>>)
      %dma_wait3A = arith.constant 0 : i32
      %dma_wait3A_21 = arith.constant 0 : i32
      %dma_wait3A_22 = tpu.memref_slice %arg4[%add3A, %dma_wait3A, %dma_wait3A_21] : memref<32x79x128xi32, #tpu.memory_space<hbm>> -> memref<1x79x128xi32, #tpu.memory_space<hbm>>
      %dma_wait3A_23 = tpu.memref_squeeze %dma_wait3A_22 : memref<1x79x128xi32, #tpu.memory_space<hbm>> -> memref<79x128xi32, #tpu.memory_space<hbm>>
      %dma_wait3A_24 = arith.constant 0 : i32
      %dma_wait3A_25 = arith.constant 0 : i32
      %dma_wait3A_26 = tpu.memref_slice %arg4[%add3A, %dma_wait3A_24, %dma_wait3A_25] : memref<32x79x128xi32, #tpu.memory_space<hbm>> -> memref<1x79x128xi32, #tpu.memory_space<hbm>>
      %dma_wait3A_27 = tpu.memref_squeeze %dma_wait3A_26 : memref<1x79x128xi32, #tpu.memory_space<hbm>> -> memref<79x128xi32, #tpu.memory_space<hbm>>
      tpu.wait_dma2 semaphore(%run_scoped3A : memref<!tpu.dma_semaphore, #tpu.memory_space<semaphore_mem>>) src(%dma_wait3A_27 : memref<79x128xi32, #tpu.memory_space<hbm>>) dst(%arg8 : memref<79x128xi32, #tpu.memory_space<vmem>>)
      tpu.yield
    }) : () -> ()
    %barrier3A = arith.constant 0 : index
    tpu.barrier barrier_id(%barrier3A)
    %scan3A = arith.constant 0 : i32
    %scan3A_5 = arith.constant 79 : i32
    %scan3A_6 = arith.addi %scan3A, %scan3A_5 : i32
    %scan3A_7 = arith.constant 1 : i32
    scf.for %scan3A_14 = %scan3A to %scan3A_6 step %scan3A_7  : i32 {
      %mul3A_15 = arith.constant 1 : i32
      %mul3A_16 = arith.muli %scan3A_14, %mul3A_15 : i32
      %add3A_17 = arith.constant 0 : i32
      %add3A_18 = arith.addi %add3A_17, %mul3A_16 : i32
      %dma_start3A = arith.constant 0 : i32
      %dma_start3A_19 = tpu.memref_slice %arg7[%add3A_18, %dma_start3A] : memref<79x128xi32, #tpu.memory_space<vmem>> -> memref<1x128xi32, #tpu.memory_space<vmem>>
      %dma_start3A_20 = tpu.memref_squeeze %dma_start3A_19 : memref<1x128xi32, #tpu.memory_space<vmem>> -> memref<128xi32, #tpu.memory_space<vmem>>
      %dma_start3A_21 = arith.constant 0 : i32
      %dma_start3A_22 = arith.constant 0 : i32
      %dma_start3A_23 = tpu.memref_slice %arg2[%dma_start3A_21, %dma_start3A_22] : memref<10000x128xf32, #tpu.memory_space<hbm>> -> memref<10000x128xf32, #tpu.memory_space<hbm>>
      tpu.enqueue_indirect_dma source(%dma_start3A_23 : memref<10000x128xf32, #tpu.memory_space<hbm>>) target(%arg9 : memref<128x128xf32, #tpu.memory_space<vmem>>) offsets(%dma_start3A_20 : memref<128xi32, #tpu.memory_space<vmem>>) semaphore(%arg11 : memref<!tpu.dma_semaphore, #tpu.memory_space<semaphore_mem>>)
      %dma_wait3A = arith.constant 0 : i32
      %dma_wait3A_24 = tpu.memref_slice %arg7[%add3A_18, %dma_wait3A] : memref<79x128xi32, #tpu.memory_space<vmem>> -> memref<1x128xi32, #tpu.memory_space<vmem>>
      %dma_wait3A_25 = tpu.memref_squeeze %dma_wait3A_24 : memref<1x128xi32, #tpu.memory_space<vmem>> -> memref<128xi32, #tpu.memory_space<vmem>>
      %dma_wait3A_26 = arith.constant 0 : i32
      %dma_wait3A_27 = arith.constant 0 : i32
      %dma_wait3A_28 = tpu.memref_slice %arg2[%dma_wait3A_26, %dma_wait3A_27] : memref<10000x128xf32, #tpu.memory_space<hbm>> -> memref<10000x128xf32, #tpu.memory_space<hbm>>
      tpu.wait_indirect_dma semaphore(%arg11 : memref<!tpu.dma_semaphore, #tpu.memory_space<semaphore_mem>>) src(%dma_wait3A_28 : memref<10000x128xf32, #tpu.memory_space<hbm>>) dst(%arg9 : memref<128x128xf32, #tpu.memory_space<vmem>>)
      "tpu.region"() ({
        %run_scoped3A = tpu.sem_alloc : memref<!tpu.dma_semaphore, #tpu.memory_space<semaphore_mem>>
        %dma_start3A_29 = arith.constant 0 : i32
        %dma_start3A_30 = tpu.memref_slice %arg8[%add3A_18, %dma_start3A_29] : memref<79x128xi32, #tpu.memory_space<vmem>> -> memref<1x128xi32, #tpu.memory_space<vmem>>
        %dma_start3A_31 = tpu.memref_squeeze %dma_start3A_30 : memref<1x128xi32, #tpu.memory_space<vmem>> -> memref<128xi32, #tpu.memory_space<vmem>>
        %dma_start3A_32 = arith.constant 0 : i32
        %dma_start3A_33 = arith.constant 0 : i32
        %dma_start3A_34 = tpu.memref_slice %arg10[%dma_start3A_32, %dma_start3A_33] : memref<10112x128xf32, #tpu.memory_space<vmem_shared>> -> memref<10112x128xf32, #tpu.memory_space<vmem_shared>>
        tpu.enqueue_indirect_dma source(%arg9 : memref<128x128xf32, #tpu.memory_space<vmem>>) target(%dma_start3A_34 : memref<10112x128xf32, #tpu.memory_space<vmem_shared>>) offsets(%dma_start3A_31 : memref<128xi32, #tpu.memory_space<vmem>>) semaphore(%run_scoped3A : memref<!tpu.dma_semaphore, #tpu.memory_space<semaphore_mem>>) {add = true}
        %dma_wait3A_35 = arith.constant 0 : i32
        %dma_wait3A_36 = tpu.memref_slice %arg8[%add3A_18, %dma_wait3A_35] : memref<79x128xi32, #tpu.memory_space<vmem>> -> memref<1x128xi32, #tpu.memory_space<vmem>>
        %dma_wait3A_37 = tpu.memref_squeeze %dma_wait3A_36 : memref<1x128xi32, #tpu.memory_space<vmem>> -> memref<128xi32, #tpu.memory_space<vmem>>
        %dma_wait3A_38 = arith.constant 0 : i32
        %dma_wait3A_39 = arith.constant 0 : i32
        %dma_wait3A_40 = tpu.memref_slice %arg10[%dma_wait3A_38, %dma_wait3A_39] : memref<10112x128xf32, #tpu.memory_space<vmem_shared>> -> memref<10112x128xf32, #tpu.memory_space<vmem_shared>>
        tpu.wait_indirect_dma semaphore(%run_scoped3A : memref<!tpu.dma_semaphore, #tpu.memory_space<semaphore_mem>>) src(%arg9 : memref<128x128xf32, #tpu.memory_space<vmem>>) dst(%dma_wait3A_40 : memref<10112x128xf32, #tpu.memory_space<vmem_shared>>)
        tpu.yield
      }) : () -> ()
    }
    %scan3A_8 = arith.constant 79 : i32
    %barrier3A_9 = arith.constant 0 : index
    tpu.barrier barrier_id(%barrier3A_9)
    %mul3A_10 = arith.constant 632 : i32
    %mul3A_11 = arith.muli %arg1, %mul3A_10 : i32
    %mul3A_12 = arith.constant 632 : i32
    %mul3A_13 = arith.muli %arg1, %mul3A_12 : i32
    "tpu.region"() ({
      %run_scoped3A = tpu.sem_alloc : memref<!tpu.dma_semaphore, #tpu.memory_space<semaphore_mem>>
      %dma_start3A = arith.constant 0 : i32
      %dma_start3A_14 = tpu.memref_slice %arg6[%arg0, %mul3A_13, %dma_start3A] : memref<2x10112x128xf32, #tpu.memory_space<hbm>> -> memref<1x632x128xf32, #tpu.memory_space<hbm>>
      %dma_start3A_15 = tpu.memref_squeeze %dma_start3A_14 : memref<1x632x128xf32, #tpu.memory_space<hbm>> -> memref<632x128xf32, #tpu.memory_space<hbm>>
      %dma_start3A_16 = arith.constant 0 : i32
      %dma_start3A_17 = tpu.memref_slice %arg10[%mul3A_11, %dma_start3A_16] : memref<10112x128xf32, #tpu.memory_space<vmem_shared>> -> memref<632x128xf32, #tpu.memory_space<vmem_shared>>
      tpu.enqueue_dma source(%dma_start3A_17 : memref<632x128xf32, #tpu.memory_space<vmem_shared>>) target(%dma_start3A_15 : memref<632x128xf32, #tpu.memory_space<hbm>>) target_semaphore(%run_scoped3A : memref<!tpu.dma_semaphore, #tpu.memory_space<semaphore_mem>>)
      %dma_wait3A = arith.constant 0 : i32
      %dma_wait3A_18 = tpu.memref_slice %arg6[%arg0, %mul3A_13, %dma_wait3A] : memref<2x10112x128xf32, #tpu.memory_space<hbm>> -> memref<1x632x128xf32, #tpu.memory_space<hbm>>
      %dma_wait3A_19 = tpu.memref_squeeze %dma_wait3A_18 : memref<1x632x128xf32, #tpu.memory_space<hbm>> -> memref<632x128xf32, #tpu.memory_space<hbm>>
      %dma_wait3A_20 = arith.constant 0 : i32
      %dma_wait3A_21 = tpu.memref_slice %arg10[%mul3A_11, %dma_wait3A_20] : memref<10112x128xf32, #tpu.memory_space<vmem_shared>> -> memref<632x128xf32, #tpu.memory_space<vmem_shared>>
      tpu.wait_dma2 semaphore(%run_scoped3A : memref<!tpu.dma_semaphore, #tpu.memory_space<semaphore_mem>>) src(%dma_wait3A_21 : memref<632x128xf32, #tpu.memory_space<vmem_shared>>) dst(%dma_wait3A_19 : memref<632x128xf32, #tpu.memory_space<hbm>>)
      tpu.yield
    }) : () -> ()
    return
  }
}

#map = affine_map<(d0, d1) -> (0, 0)>
#map1 = affine_map<(d0, d1) -> (0, 0, 0)>
module attributes {stable_mosaic.version = 14 : i64} {
  func.func @k(%arg0: i32, %arg1: i32, %arg2: memref<10000x128xf32, #tpu.memory_space<hbm>>, %arg3: memref<32x79x128xi32, #tpu.memory_space<hbm>>, %arg4: memref<32x79x128xi32, #tpu.memory_space<hbm>>, %arg5: memref<10112x128xf32, #tpu.memory_space<hbm>>, %arg6: memref<2x10112x128xf32, #tpu.memory_space<hbm>>, %arg7: memref<79x128xi32, #tpu.memory_space<vmem>>, %arg8: memref<79x128xi32, #tpu.memory_space<vmem>>, %arg9: memref<128x128xf32, #tpu.memory_space<vmem>>, %arg10: memref<10112x128xf32, #tpu.memory_space<vmem_shared>>, %arg11: memref<!tpu.dma_semaphore, #tpu.memory_space<semaphore_mem>>) attributes {dimension_semantics = [#tpu.dimension_semantics<core_parallel>, #tpu.dimension_semantics<subcore_parallel>], iteration_bounds = array<i64: 2, 16>, scalar_prefetch = 0 : i64, scratch_operands = 5 : i64, tpu.core_type = #tpu.core_type<sc_vector_subcore>, window_params = [{transform_indices = #map}, {transform_indices = #map1}, {transform_indices = #map1}, {transform_indices = #map}, {transform_indices = #map1}]} {
    %mul3A = arith.constant 2 : i32
    %mul3A_0 = arith.muli %arg1, %mul3A : i32
    %add3A = arith.addi %mul3A_0, %arg0 : i32
    %mul3A_1 = arith.constant 632 : i32
    %mul3A_2 = arith.muli %arg1, %mul3A_1 : i32
    %mul3A_3 = arith.constant 632 : i32
    %mul3A_4 = arith.muli %arg1, %mul3A_3 : i32
    "tpu.region"() ({
      %run_scoped3A = tpu.sem_alloc : memref<!tpu.dma_semaphore, #tpu.memory_space<semaphore_mem>>
      %dma_start3A = arith.constant 0 : i32
      %dma_start3A_14 = tpu.memref_slice %arg10[%mul3A_4, %dma_start3A] : memref<10112x128xf32, #tpu.memory_space<vmem_shared>> -> memref<632x128xf32, #tpu.memory_space<vmem_shared>>
      %dma_start3A_15 = arith.constant 0 : i32
      %dma_start3A_16 = tpu.memref_slice %arg5[%mul3A_2, %dma_start3A_15] : memref<10112x128xf32, #tpu.memory_space<hbm>> -> memref<632x128xf32, #tpu.memory_space<hbm>>
      tpu.enqueue_dma source(%dma_start3A_16 : memref<632x128xf32, #tpu.memory_space<hbm>>) target(%dma_start3A_14 : memref<632x128xf32, #tpu.memory_space<vmem_shared>>) target_semaphore(%run_scoped3A : memref<!tpu.dma_semaphore, #tpu.memory_space<semaphore_mem>>)
      %dma_wait3A = arith.constant 0 : i32
      %dma_wait3A_17 = tpu.memref_slice %arg10[%mul3A_4, %dma_wait3A] : memref<10112x128xf32, #tpu.memory_space<vmem_shared>> -> memref<632x128xf32, #tpu.memory_space<vmem_shared>>
      %dma_wait3A_18 = arith.constant 0 : i32
      %dma_wait3A_19 = tpu.memref_slice %arg5[%mul3A_2, %dma_wait3A_18] : memref<10112x128xf32, #tpu.memory_space<hbm>> -> memref<632x128xf32, #tpu.memory_space<hbm>>
      tpu.wait_dma2 semaphore(%run_scoped3A : memref<!tpu.dma_semaphore, #tpu.memory_space<semaphore_mem>>) src(%dma_wait3A_19 : memref<632x128xf32, #tpu.memory_space<hbm>>) dst(%dma_wait3A_17 : memref<632x128xf32, #tpu.memory_space<vmem_shared>>)
      tpu.yield
    }) : () -> ()
    "tpu.region"() ({
      %run_scoped3A = tpu.sem_alloc : memref<!tpu.dma_semaphore, #tpu.memory_space<semaphore_mem>>
      %dma_start3A = arith.constant 0 : i32
      %dma_start3A_14 = arith.constant 0 : i32
      %dma_start3A_15 = tpu.memref_slice %arg3[%add3A, %dma_start3A, %dma_start3A_14] : memref<32x79x128xi32, #tpu.memory_space<hbm>> -> memref<1x79x128xi32, #tpu.memory_space<hbm>>
      %dma_start3A_16 = tpu.memref_squeeze %dma_start3A_15 : memref<1x79x128xi32, #tpu.memory_space<hbm>> -> memref<79x128xi32, #tpu.memory_space<hbm>>
      %dma_start3A_17 = arith.constant 0 : i32
      %dma_start3A_18 = arith.constant 0 : i32
      %dma_start3A_19 = tpu.memref_slice %arg3[%add3A, %dma_start3A_17, %dma_start3A_18] : memref<32x79x128xi32, #tpu.memory_space<hbm>> -> memref<1x79x128xi32, #tpu.memory_space<hbm>>
      %dma_start3A_20 = tpu.memref_squeeze %dma_start3A_19 : memref<1x79x128xi32, #tpu.memory_space<hbm>> -> memref<79x128xi32, #tpu.memory_space<hbm>>
      tpu.enqueue_dma source(%dma_start3A_20 : memref<79x128xi32, #tpu.memory_space<hbm>>) target(%arg7 : memref<79x128xi32, #tpu.memory_space<vmem>>) target_semaphore(%run_scoped3A : memref<!tpu.dma_semaphore, #tpu.memory_space<semaphore_mem>>)
      %dma_wait3A = arith.constant 0 : i32
      %dma_wait3A_21 = arith.constant 0 : i32
      %dma_wait3A_22 = tpu.memref_slice %arg3[%add3A, %dma_wait3A, %dma_wait3A_21] : memref<32x79x128xi32, #tpu.memory_space<hbm>> -> memref<1x79x128xi32, #tpu.memory_space<hbm>>
      %dma_wait3A_23 = tpu.memref_squeeze %dma_wait3A_22 : memref<1x79x128xi32, #tpu.memory_space<hbm>> -> memref<79x128xi32, #tpu.memory_space<hbm>>
      %dma_wait3A_24 = arith.constant 0 : i32
      %dma_wait3A_25 = arith.constant 0 : i32
      %dma_wait3A_26 = tpu.memref_slice %arg3[%add3A, %dma_wait3A_24, %dma_wait3A_25] : memref<32x79x128xi32, #tpu.memory_space<hbm>> -> memref<1x79x128xi32, #tpu.memory_space<hbm>>
      %dma_wait3A_27 = tpu.memref_squeeze %dma_wait3A_26 : memref<1x79x128xi32, #tpu.memory_space<hbm>> -> memref<79x128xi32, #tpu.memory_space<hbm>>
      tpu.wait_dma2 semaphore(%run_scoped3A : memref<!tpu.dma_semaphore, #tpu.memory_space<semaphore_mem>>) src(%dma_wait3A_27 : memref<79x128xi32, #tpu.memory_space<hbm>>) dst(%arg7 : memref<79x128xi32, #tpu.memory_space<vmem>>)
      tpu.yield
    }) : () -> ()
    "tpu.region"() ({
      %run_scoped3A = tpu.sem_alloc : memref<!tpu.dma_semaphore, #tpu.memory_space<semaphore_mem>>
      %dma_start3A = arith.constant 0 : i32
      %dma_start3A_14 = arith.constant 0 : i32
      %dma_start3A_15 = tpu.memref_slice %arg4[%add3A, %dma_start3A, %dma_start3A_14] : memref<32x79x128xi32, #tpu.memory_space<hbm>> -> memref<1x79x128xi32, #tpu.memory_space<hbm>>
      %dma_start3A_16 = tpu.memref_squeeze %dma_start3A_15 : memref<1x79x128xi32, #tpu.memory_space<hbm>> -> memref<79x128xi32, #tpu.memory_space<hbm>>
      %dma_start3A_17 = arith.constant 0 : i32
      %dma_start3A_18 = arith.constant 0 : i32
      %dma_start3A_19 = tpu.memref_slice %arg4[%add3A, %dma_start3A_17, %dma_start3A_18] : memref<32x79x128xi32, #tpu.memory_space<hbm>> -> memref<1x79x128xi32, #tpu.memory_space<hbm>>
      %dma_start3A_20 = tpu.memref_squeeze %dma_start3A_19 : memref<1x79x128xi32, #tpu.memory_space<hbm>> -> memref<79x128xi32, #tpu.memory_space<hbm>>
      tpu.enqueue_dma source(%dma_start3A_20 : memref<79x128xi32, #tpu.memory_space<hbm>>) target(%arg8 : memref<79x128xi32, #tpu.memory_space<vmem>>) target_semaphore(%run_scoped3A : memref<!tpu.dma_semaphore, #tpu.memory_space<semaphore_mem>>)
      %dma_wait3A = arith.constant 0 : i32
      %dma_wait3A_21 = arith.constant 0 : i32
      %dma_wait3A_22 = tpu.memref_slice %arg4[%add3A, %dma_wait3A, %dma_wait3A_21] : memref<32x79x128xi32, #tpu.memory_space<hbm>> -> memref<1x79x128xi32, #tpu.memory_space<hbm>>
      %dma_wait3A_23 = tpu.memref_squeeze %dma_wait3A_22 : memref<1x79x128xi32, #tpu.memory_space<hbm>> -> memref<79x128xi32, #tpu.memory_space<hbm>>
      %dma_wait3A_24 = arith.constant 0 : i32
      %dma_wait3A_25 = arith.constant 0 : i32
      %dma_wait3A_26 = tpu.memref_slice %arg4[%add3A, %dma_wait3A_24, %dma_wait3A_25] : memref<32x79x128xi32, #tpu.memory_space<hbm>> -> memref<1x79x128xi32, #tpu.memory_space<hbm>>
      %dma_wait3A_27 = tpu.memref_squeeze %dma_wait3A_26 : memref<1x79x128xi32, #tpu.memory_space<hbm>> -> memref<79x128xi32, #tpu.memory_space<hbm>>
      tpu.wait_dma2 semaphore(%run_scoped3A : memref<!tpu.dma_semaphore, #tpu.memory_space<semaphore_mem>>) src(%dma_wait3A_27 : memref<79x128xi32, #tpu.memory_space<hbm>>) dst(%arg8 : memref<79x128xi32, #tpu.memory_space<vmem>>)
      tpu.yield
    }) : () -> ()
    %barrier3A = arith.constant 0 : index
    tpu.barrier barrier_id(%barrier3A)
    %scan3A = arith.constant 0 : i32
    %scan3A_5 = arith.constant 79 : i32
    %scan3A_6 = arith.addi %scan3A, %scan3A_5 : i32
    %scan3A_7 = arith.constant 1 : i32
    scf.for %scan3A_14 = %scan3A to %scan3A_6 step %scan3A_7  : i32 {
      %mul3A_15 = arith.constant 1 : i32
      %mul3A_16 = arith.muli %scan3A_14, %mul3A_15 : i32
      %add3A_17 = arith.constant 0 : i32
      %add3A_18 = arith.addi %add3A_17, %mul3A_16 : i32
      %dma_start3A = arith.constant 0 : i32
      %dma_start3A_19 = tpu.memref_slice %arg7[%add3A_18, %dma_start3A] : memref<79x128xi32, #tpu.memory_space<vmem>> -> memref<1x128xi32, #tpu.memory_space<vmem>>
      %dma_start3A_20 = tpu.memref_squeeze %dma_start3A_19 : memref<1x128xi32, #tpu.memory_space<vmem>> -> memref<128xi32, #tpu.memory_space<vmem>>
      %dma_start3A_21 = arith.constant 0 : i32
      %dma_start3A_22 = arith.constant 0 : i32
      %dma_start3A_23 = tpu.memref_slice %arg2[%dma_start3A_21, %dma_start3A_22] : memref<10000x128xf32, #tpu.memory_space<hbm>> -> memref<10000x128xf32, #tpu.memory_space<hbm>>
      tpu.enqueue_indirect_dma source(%dma_start3A_23 : memref<10000x128xf32, #tpu.memory_space<hbm>>) target(%arg9 : memref<128x128xf32, #tpu.memory_space<vmem>>) offsets(%dma_start3A_20 : memref<128xi32, #tpu.memory_space<vmem>>) semaphore(%arg11 : memref<!tpu.dma_semaphore, #tpu.memory_space<semaphore_mem>>)
      %dma_wait3A = arith.constant 0 : i32
      %dma_wait3A_24 = tpu.memref_slice %arg7[%add3A_18, %dma_wait3A] : memref<79x128xi32, #tpu.memory_space<vmem>> -> memref<1x128xi32, #tpu.memory_space<vmem>>
      %dma_wait3A_25 = tpu.memref_squeeze %dma_wait3A_24 : memref<1x128xi32, #tpu.memory_space<vmem>> -> memref<128xi32, #tpu.memory_space<vmem>>
      %dma_wait3A_26 = arith.constant 0 : i32
      %dma_wait3A_27 = arith.constant 0 : i32
      %dma_wait3A_28 = tpu.memref_slice %arg2[%dma_wait3A_26, %dma_wait3A_27] : memref<10000x128xf32, #tpu.memory_space<hbm>> -> memref<10000x128xf32, #tpu.memory_space<hbm>>
      tpu.wait_indirect_dma semaphore(%arg11 : memref<!tpu.dma_semaphore, #tpu.memory_space<semaphore_mem>>) src(%dma_wait3A_28 : memref<10000x128xf32, #tpu.memory_space<hbm>>) dst(%arg9 : memref<128x128xf32, #tpu.memory_space<vmem>>)
      "tpu.region"() ({
        %run_scoped3A = tpu.sem_alloc : memref<!tpu.dma_semaphore, #tpu.memory_space<semaphore_mem>>
        %dma_start3A_29 = arith.constant 0 : i32
        %dma_start3A_30 = tpu.memref_slice %arg8[%add3A_18, %dma_start3A_29] : memref<79x128xi32, #tpu.memory_space<vmem>> -> memref<1x128xi32, #tpu.memory_space<vmem>>
        %dma_start3A_31 = tpu.memref_squeeze %dma_start3A_30 : memref<1x128xi32, #tpu.memory_space<vmem>> -> memref<128xi32, #tpu.memory_space<vmem>>
        %dma_start3A_32 = arith.constant 0 : i32
        %dma_start3A_33 = arith.constant 0 : i32
        %dma_start3A_34 = tpu.memref_slice %arg10[%dma_start3A_32, %dma_start3A_33] : memref<10112x128xf32, #tpu.memory_space<vmem_shared>> -> memref<10112x128xf32, #tpu.memory_space<vmem_shared>>
        tpu.enqueue_indirect_dma source(%arg9 : memref<128x128xf32, #tpu.memory_space<vmem>>) target(%dma_start3A_34 : memref<10112x128xf32, #tpu.memory_space<vmem_shared>>) offsets(%dma_start3A_31 : memref<128xi32, #tpu.memory_space<vmem>>) semaphore(%run_scoped3A : memref<!tpu.dma_semaphore, #tpu.memory_space<semaphore_mem>>) {add = true}
        %dma_wait3A_35 = arith.constant 0 : i32
        %dma_wait3A_36 = tpu.memref_slice %arg8[%add3A_18, %dma_wait3A_35] : memref<79x128xi32, #tpu.memory_space<vmem>> -> memref<1x128xi32, #tpu.memory_space<vmem>>
        %dma_wait3A_37 = tpu.memref_squeeze %dma_wait3A_36 : memref<1x128xi32, #tpu.memory_space<vmem>> -> memref<128xi32, #tpu.memory_space<vmem>>
        %dma_wait3A_38 = arith.constant 0 : i32
        %dma_wait3A_39 = arith.constant 0 : i32
        %dma_wait3A_40 = tpu.memref_slice %arg10[%dma_wait3A_38, %dma_wait3A_39] : memref<10112x128xf32, #tpu.memory_space<vmem_shared>> -> memref<10112x128xf32, #tpu.memory_space<vmem_shared>>
        tpu.wait_indirect_dma semaphore(%run_scoped3A : memref<!tpu.dma_semaphore, #tpu.memory_space<semaphore_mem>>) src(%arg9 : memref<128x128xf32, #tpu.memory_space<vmem>>) dst(%dma_wait3A_40 : memref<10112x128xf32, #tpu.memory_space<vmem_shared>>)
        tpu.yield
      }) : () -> ()
    }
    %scan3A_8 = arith.constant 79 : i32
    %barrier3A_9 = arith.constant 0 : index
    tpu.barrier barrier_id(%barrier3A_9)
    %mul3A_10 = arith.constant 632 : i32
    %mul3A_11 = arith.muli %arg1, %mul3A_10 : i32
    %mul3A_12 = arith.constant 632 : i32
    %mul3A_13 = arith.muli %arg1, %mul3A_12 : i32
    "tpu.region"() ({
      %run_scoped3A = tpu.sem_alloc : memref<!tpu.dma_semaphore, #tpu.memory_space<semaphore_mem>>
      %dma_start3A = arith.constant 0 : i32
      %dma_start3A_14 = tpu.memref_slice %arg6[%arg0, %mul3A_13, %dma_start3A] : memref<2x10112x128xf32, #tpu.memory_space<hbm>> -> memref<1x632x128xf32, #tpu.memory_space<hbm>>
      %dma_start3A_15 = tpu.memref_squeeze %dma_start3A_14 : memref<1x632x128xf32, #tpu.memory_space<hbm>> -> memref<632x128xf32, #tpu.memory_space<hbm>>
      %dma_start3A_16 = arith.constant 0 : i32
      %dma_start3A_17 = tpu.memref_slice %arg10[%mul3A_11, %dma_start3A_16] : memref<10112x128xf32, #tpu.memory_space<vmem_shared>> -> memref<632x128xf32, #tpu.memory_space<vmem_shared>>
      tpu.enqueue_dma source(%dma_start3A_17 : memref<632x128xf32, #tpu.memory_space<vmem_shared>>) target(%dma_start3A_15 : memref<632x128xf32, #tpu.memory_space<hbm>>) target_semaphore(%run_scoped3A : memref<!tpu.dma_semaphore, #tpu.memory_space<semaphore_mem>>)
      %dma_wait3A = arith.constant 0 : i32
      %dma_wait3A_18 = tpu.memref_slice %arg6[%arg0, %mul3A_13, %dma_wait3A] : memref<2x10112x128xf32, #tpu.memory_space<hbm>> -> memref<1x632x128xf32, #tpu.memory_space<hbm>>
      %dma_wait3A_19 = tpu.memref_squeeze %dma_wait3A_18 : memref<1x632x128xf32, #tpu.memory_space<hbm>> -> memref<632x128xf32, #tpu.memory_space<hbm>>
      %dma_wait3A_20 = arith.constant 0 : i32
      %dma_wait3A_21 = tpu.memref_slice %arg10[%mul3A_11, %dma_wait3A_20] : memref<10112x128xf32, #tpu.memory_space<vmem_shared>> -> memref<632x128xf32, #tpu.memory_space<vmem_shared>>
      tpu.wait_dma2 semaphore(%run_scoped3A : memref<!tpu.dma_semaphore, #tpu.memory_space<semaphore_mem>>) src(%dma_wait3A_21 : memref<632x128xf32, #tpu.memory_space<vmem_shared>>) dst(%dma_wait3A_19 : memref<632x128xf32, #tpu.memory_space<hbm>>)
      tpu.yield
    }) : () -> ()
    return
  }
}

module attributes {stable_mosaic.version = 14 : i64} {
  func.func @_scale_body(%arg0: i32, %arg1: memref<2x2000x128xf32, #tpu.memory_space<vmem>>, %arg2: memref<2000x128xf32, #tpu.memory_space<vmem>>, %arg3: memref<2000x128xf32, #tpu.memory_space<vmem>>) attributes {dimension_semantics = [#tpu.dimension_semantics<arbitrary>], iteration_bounds = array<i64: 5>, scalar_prefetch = 0 : i64, scratch_operands = 0 : i64, tpu.core_type = #tpu.core_type<tc>, window_params = [{transform_indices = @transform_0, window_bounds = array<i64: 2, 2000, 128>}, {transform_indices = @transform_1, window_bounds = array<i64: 2000, 128>}, {transform_indices = @transform_2, window_bounds = array<i64: 2000, 128>}]} {
    %get3A = arith.constant 0 : index
    %get3A_0 = arith.constant 0 : index
    %get3A_1 = arith.constant 0 : index
    %get3A_2 = vector.load %arg1[%get3A, %get3A_0, %get3A_1] : memref<2x2000x128xf32, #tpu.memory_space<vmem>>, vector<1x2000x1xf32>
    %get3A_3 = vector.shape_cast %get3A_2 : vector<1x2000x1xf32> to vector<2000x1xf32>
    %get3A_4 = arith.constant 1 : index
    %get3A_5 = arith.constant 0 : index
    %get3A_6 = arith.constant 0 : index
    %get3A_7 = vector.load %arg1[%get3A_4, %get3A_5, %get3A_6] : memref<2x2000x128xf32, #tpu.memory_space<vmem>>, vector<1x2000x1xf32>
    %get3A_8 = vector.shape_cast %get3A_7 : vector<1x2000x1xf32> to vector<2000x1xf32>
    %add3A = arith.addf %get3A_3, %get3A_8 : vector<2000x1xf32>
    %add3A_9 = arith.constant 1.000000e+00 : f32
    %add3A_10 = vector.broadcast %add3A_9 : f32 to vector<2000x1xf32>
    %add3A_11 = arith.addf %add3A, %add3A_10 : vector<2000x1xf32>
    %rsqrt3A = math.rsqrt %add3A_11 : vector<2000x1xf32>
    %get3A_12 = arith.constant 0 : index
    %get3A_13 = arith.constant 0 : index
    %get3A_14 = vector.load %arg2[%get3A_12, %get3A_13] : memref<2000x128xf32, #tpu.memory_space<vmem>>, vector<2000x128xf32>
    %mul3A = vector.broadcast %rsqrt3A : vector<2000x1xf32> to vector<2000x128xf32>
    %mul3A_15 = arith.mulf %mul3A, %get3A_14 : vector<2000x128xf32>
    %swap3A = arith.constant 0 : index
    %swap3A_16 = arith.constant 0 : index
    %swap3A_17 = vector.load %arg3[%swap3A, %swap3A_16] : memref<2000x128xf32, #tpu.memory_space<vmem>>, vector<2000x128xf32>
    tpu.vector_store %arg3[%swap3A, %swap3A_16], %mul3A_15 {strides = array<i32>} : memref<2000x128xf32, #tpu.memory_space<vmem>>, vector<2000x128xf32>,
    return
  }
  func.func @transform_0(%arg0: i32) -> (i32, i32, i32) {
    %c0_i32 = arith.constant 0 : i32
    %c0_i32_0 = arith.constant 0 : i32
    %c0_i32_1 = arith.constant 0 : i32
    return %c0_i32, %arg0, %c0_i32_0 : i32, i32, i32
  }
  func.func @transform_1(%arg0: i32) -> (i32, i32) {
    %c0_i32 = arith.constant 0 : i32
    %c0_i32_0 = arith.constant 0 : i32
    return %arg0, %c0_i32 : i32, i32
  }
  func.func @transform_2(%arg0: i32) -> (i32, i32) {
    %c0_i32 = arith.constant 0 : i32
    %c0_i32_0 = arith.constant 0 : i32
    return %arg0, %c0_i32 : i32, i32
  }
}

module attributes {stable_mosaic.version = 14 : i64} {
  func.func @_mm_body(%arg0: i32, %arg1: memref<2000x128xf32, #tpu.memory_space<vmem>>, %arg2: memref<128x128xf32, #tpu.memory_space<vmem>>, %arg3: memref<2000x128xf32, #tpu.memory_space<vmem>>) attributes {dimension_semantics = [#tpu.dimension_semantics<arbitrary>], iteration_bounds = array<i64: 5>, scalar_prefetch = 0 : i64, scratch_operands = 0 : i64, tpu.core_type = #tpu.core_type<tc>, window_params = [{transform_indices = @transform_0, window_bounds = array<i64: 2000, 128>}, {pipeline_mode = #tpu.pipeline_mode<synchronous>, transform_indices = @transform_1, window_bounds = array<i64: 128, 128>}, {transform_indices = @transform_2, window_bounds = array<i64: 2000, 128>}]} {
    %get3A = arith.constant 0 : index
    %get3A_0 = arith.constant 0 : index
    %get3A_1 = vector.load %arg1[%get3A, %get3A_0] : memref<2000x128xf32, #tpu.memory_space<vmem>>, vector<2000x128xf32>
    %get3A_2 = arith.constant 0 : index
    %get3A_3 = arith.constant 0 : index
    %get3A_4 = vector.load %arg2[%get3A_2, %get3A_3] : memref<128x128xf32, #tpu.memory_space<vmem>>, vector<128x128xf32>
    %dot_general3A = arith.constant dense<0.000000e+00> : vector<2000x128xf32>
    %dot_general3A_5 = tpu.matmul %get3A_1, %get3A_4, %dot_general3A {dimension_numbers = #tpu.dot_dimension_numbers<[1], [0], [0], [1], [0, 0, 1, 1], [], []>, transpose_lhs_hint = false} : vector<2000x128xf32>, vector<128x128xf32>, vector<2000x128xf32> -> vector<2000x128xf32>
    %swap3A = arith.constant 0 : index
    %swap3A_6 = arith.constant 0 : index
    %swap3A_7 = vector.load %arg3[%swap3A, %swap3A_6] : memref<2000x128xf32, #tpu.memory_space<vmem>>, vector<2000x128xf32>
    tpu.vector_store %arg3[%swap3A, %swap3A_6], %dot_general3A_5 {strides = array<i32>} : memref<2000x128xf32, #tpu.memory_space<vmem>>, vector<2000x128xf32>,
    return
  }
  func.func @transform_0(%arg0: i32) -> (i32, i32) {
    %c0_i32 = arith.constant 0 : i32
    %c0_i32_0 = arith.constant 0 : i32
    return %arg0, %c0_i32 : i32, i32
  }
  func.func @transform_1(%arg0: i32) -> (i32, i32) {
    %c0_i32 = arith.constant 0 : i32
    %c0_i32_0 = arith.constant 0 : i32
    %c0_i32_1 = arith.constant 0 : i32
    return %c0_i32, %c0_i32_0 : i32, i32
  }
  func.func @transform_2(%arg0: i32) -> (i32, i32) {
    %c0_i32 = arith.constant 0 : i32
    %c0_i32_0 = arith.constant 0 : i32
    return %arg0, %c0_i32 : i32, i32
  }
}

module attributes {stable_mosaic.version = 14 : i64} {
  func.func @_combine_body(%arg0: i32, %arg1: memref<2x2000x128xf32, #tpu.memory_space<vmem>>, %arg2: memref<2x2000x128xf32, #tpu.memory_space<vmem>>, %arg3: memref<2000x128xf32, #tpu.memory_space<vmem>>, %arg4: memref<1x128xf32, #tpu.memory_space<vmem>>, %arg5: memref<128x128xf32, #tpu.memory_space<vmem>>, %arg6: memref<2000x128xf32, #tpu.memory_space<vmem>>) attributes {dimension_semantics = [#tpu.dimension_semantics<arbitrary>], iteration_bounds = array<i64: 5>, scalar_prefetch = 0 : i64, scratch_operands = 0 : i64, tpu.core_type = #tpu.core_type<tc>, window_params = [{transform_indices = @transform_0, window_bounds = array<i64: 2, 2000, 128>}, {transform_indices = @transform_1, window_bounds = array<i64: 2, 2000, 128>}, {transform_indices = @transform_2, window_bounds = array<i64: 2000, 128>}, {pipeline_mode = #tpu.pipeline_mode<synchronous>, transform_indices = @transform_3, window_bounds = array<i64: 1, 128>}, {pipeline_mode = #tpu.pipeline_mode<synchronous>, transform_indices = @transform_4, window_bounds = array<i64: 128, 128>}, {transform_indices = @transform_5, window_bounds = array<i64: 2000, 128>}]} {
    %get3A = arith.constant 0 : index
    %get3A_0 = arith.constant 0 : index
    %get3A_1 = arith.constant 0 : index
    %get3A_2 = vector.load %arg2[%get3A, %get3A_0, %get3A_1] : memref<2x2000x128xf32, #tpu.memory_space<vmem>>, vector<1x2000x1xf32>
    %get3A_3 = vector.shape_cast %get3A_2 : vector<1x2000x1xf32> to vector<2000x1xf32>
    %get3A_4 = arith.constant 1 : index
    %get3A_5 = arith.constant 0 : index
    %get3A_6 = arith.constant 0 : index
    %get3A_7 = vector.load %arg2[%get3A_4, %get3A_5, %get3A_6] : memref<2x2000x128xf32, #tpu.memory_space<vmem>>, vector<1x2000x1xf32>
    %get3A_8 = vector.shape_cast %get3A_7 : vector<1x2000x1xf32> to vector<2000x1xf32>
    %add3A = arith.addf %get3A_3, %get3A_8 : vector<2000x1xf32>
    %add3A_9 = arith.constant 1.000000e+00 : f32
    %add3A_10 = vector.broadcast %add3A_9 : f32 to vector<2000x1xf32>
    %add3A_11 = arith.addf %add3A, %add3A_10 : vector<2000x1xf32>
    %rsqrt3A = math.rsqrt %add3A_11 : vector<2000x1xf32>
    %get3A_12 = arith.constant 0 : index
    %get3A_13 = arith.constant 0 : index
    %get3A_14 = arith.constant 0 : index
    %get3A_15 = vector.load %arg1[%get3A_12, %get3A_13, %get3A_14] : memref<2x2000x128xf32, #tpu.memory_space<vmem>>, vector<1x2000x128xf32>
    %get3A_16 = vector.shape_cast %get3A_15 : vector<1x2000x128xf32> to vector<2000x128xf32>
    %get3A_17 = arith.constant 1 : index
    %get3A_18 = arith.constant 0 : index
    %get3A_19 = arith.constant 0 : index
    %get3A_20 = vector.load %arg1[%get3A_17, %get3A_18, %get3A_19] : memref<2x2000x128xf32, #tpu.memory_space<vmem>>, vector<1x2000x128xf32>
    %get3A_21 = vector.shape_cast %get3A_20 : vector<1x2000x128xf32> to vector<2000x128xf32>
    %add3A_22 = arith.addf %get3A_16, %get3A_21 : vector<2000x128xf32>
    %get3A_23 = arith.constant 0 : index
    %get3A_24 = arith.constant 0 : index
    %get3A_25 = vector.load %arg3[%get3A_23, %get3A_24] : memref<2000x128xf32, #tpu.memory_space<vmem>>, vector<2000x128xf32>
    %add3A_26 = arith.addf %add3A_22, %get3A_25 : vector<2000x128xf32>
    %mul3A = vector.broadcast %rsqrt3A : vector<2000x1xf32> to vector<2000x128xf32>
    %mul3A_27 = arith.mulf %mul3A, %add3A_26 : vector<2000x128xf32>
    %get3A_28 = arith.constant 0 : index
    %get3A_29 = arith.constant 0 : index
    %get3A_30 = vector.load %arg4[%get3A_28, %get3A_29] : memref<1x128xf32, #tpu.memory_space<vmem>>, vector<1x128xf32>
    %add3A_31 = vector.broadcast %get3A_30 : vector<1x128xf32> to vector<2000x128xf32>
    %add3A_32 = arith.addf %mul3A_27, %add3A_31 : vector<2000x128xf32>
    %tanh3A = math.tanh %add3A_32 : vector<2000x128xf32>
    %get3A_33 = arith.constant 0 : index
    %get3A_34 = arith.constant 0 : index
    %get3A_35 = vector.load %arg5[%get3A_33, %get3A_34] : memref<128x128xf32, #tpu.memory_space<vmem>>, vector<128x128xf32>
    %dot_general3A = arith.constant dense<0.000000e+00> : vector<2000x128xf32>
    %dot_general3A_36 = tpu.matmul %tanh3A, %get3A_35, %dot_general3A {dimension_numbers = #tpu.dot_dimension_numbers<[1], [0], [0], [1], [0, 0, 1, 1], [], []>, transpose_lhs_hint = false} : vector<2000x128xf32>, vector<128x128xf32>, vector<2000x128xf32> -> vector<2000x128xf32>
    %mul3A_37 = vector.broadcast %rsqrt3A : vector<2000x1xf32> to vector<2000x128xf32>
    %mul3A_38 = arith.mulf %mul3A_37, %dot_general3A_36 : vector<2000x128xf32>
    %swap3A = arith.constant 0 : index
    %swap3A_39 = arith.constant 0 : index
    %swap3A_40 = vector.load %arg6[%swap3A, %swap3A_39] : memref<2000x128xf32, #tpu.memory_space<vmem>>, vector<2000x128xf32>
    tpu.vector_store %arg6[%swap3A, %swap3A_39], %mul3A_38 {strides = array<i32>} : memref<2000x128xf32, #tpu.memory_space<vmem>>, vector<2000x128xf32>,
    return
  }
  func.func @transform_0(%arg0: i32) -> (i32, i32, i32) {
    %c0_i32 = arith.constant 0 : i32
    %c0_i32_0 = arith.constant 0 : i32
    %c0_i32_1 = arith.constant 0 : i32
    return %c0_i32, %arg0, %c0_i32_0 : i32, i32, i32
  }
  func.func @transform_1(%arg0: i32) -> (i32, i32, i32) {
    %c0_i32 = arith.constant 0 : i32
    %c0_i32_0 = arith.constant 0 : i32
    %c0_i32_1 = arith.constant 0 : i32
    return %c0_i32, %arg0, %c0_i32_0 : i32, i32, i32
  }
  func.func @transform_2(%arg0: i32) -> (i32, i32) {
    %c0_i32 = arith.constant 0 : i32
    %c0_i32_0 = arith.constant 0 : i32
    return %arg0, %c0_i32 : i32, i32
  }
  func.func @transform_3(%arg0: i32) -> (i32, i32) {
    %c0_i32 = arith.constant 0 : i32
    %c0_i32_0 = arith.constant 0 : i32
    %c0_i32_1 = arith.constant 0 : i32
    return %c0_i32, %c0_i32_0 : i32, i32
  }
  func.func @transform_4(%arg0: i32) -> (i32, i32) {
    %c0_i32 = arith.constant 0 : i32
    %c0_i32_0 = arith.constant 0 : i32
    %c0_i32_1 = arith.constant 0 : i32
    return %c0_i32, %c0_i32_0 : i32, i32
  }
  func.func @transform_5(%arg0: i32) -> (i32, i32) {
    %c0_i32 = arith.constant 0 : i32
    %c0_i32_0 = arith.constant 0 : i32
    return %arg0, %c0_i32 : i32, i32
  }
}

module attributes {stable_mosaic.version = 14 : i64} {
  func.func @_final_body(%arg0: i32, %arg1: memref<2x2000x128xf32, #tpu.memory_space<vmem>>, %arg2: memref<2x2000x128xf32, #tpu.memory_space<vmem>>, %arg3: memref<2000x128xf32, #tpu.memory_space<vmem>>, %arg4: memref<1x128xf32, #tpu.memory_space<vmem>>, %arg5: memref<1x1x2000xi32, #tpu.memory_space<vmem>>, %arg6: memref<256x1xf32, #tpu.memory_space<vmem>>, %arg7: memref<256x1xf32, #tpu.memory_space<vmem>>, %arg8: memref<256x1xf32, #tpu.memory_space<vmem>>, %arg9: memref<128x128xf32, #tpu.memory_space<vmem>>, %arg10: memref<1x128xf32, #tpu.memory_space<vmem>>, %arg11: memref<1x128xf32, #tpu.memory_space<vmem>>, %arg12: memref<128x64xf32, #tpu.memory_space<vmem>>, %arg13: memref<1x64xf32, #tpu.memory_space<vmem>>, %arg14: memref<64x32xf32, #tpu.memory_space<vmem>>, %arg15: memref<1x32xf32, #tpu.memory_space<vmem>>, %arg16: memref<32x1xf32, #tpu.memory_space<vmem>>, %arg17: memref<1x1xf32, #tpu.memory_space<vmem>>, %arg18: memref<256x1xf32, #tpu.memory_space<vmem>>, %arg19: memref<256x128xf32, #tpu.memory_space<vmem>>, %arg20: memref<256x1xf32, #tpu.memory_space<vmem>>) attributes {dimension_semantics = [#tpu.dimension_semantics<arbitrary>], iteration_bounds = array<i64: 5>, scalar_prefetch = 0 : i64, scratch_operands = 2 : i64, tpu.core_type = #tpu.core_type<tc>, window_params = [{transform_indices = @transform_0, window_bounds = array<i64: 2, 2000, 128>}, {transform_indices = @transform_1, window_bounds = array<i64: 2, 2000, 128>}, {transform_indices = @transform_2, window_bounds = array<i64: 2000, 128>}, {pipeline_mode = #tpu.pipeline_mode<synchronous>, transform_indices = @transform_3, window_bounds = array<i64: 1, 128>}, {transform_indices = @transform_4, window_bounds = array<i64: 1, 1, 2000>}, {pipeline_mode = #tpu.pipeline_mode<synchronous>, transform_indices = @transform_5, window_bounds = array<i64: 256, 1>}, {pipeline_mode = #tpu.pipeline_mode<synchronous>, transform_indices = @transform_6, window_bounds = array<i64: 256, 1>}, {pipeline_mode = #tpu.pipeline_mode<synchronous>, transform_indices = @transform_7, window_bounds = array<i64: 256, 1>}, {pipeline_mode = #tpu.pipeline_mode<synchronous>, transform_indices = @transform_8, window_bounds = array<i64: 128, 128>}, {pipeline_mode = #tpu.pipeline_mode<synchronous>, transform_indices = @transform_9, window_bounds = array<i64: 1, 128>}, {pipeline_mode = #tpu.pipeline_mode<synchronous>, transform_indices = @transform_10, window_bounds = array<i64: 1, 128>}, {pipeline_mode = #tpu.pipeline_mode<synchronous>, transform_indices = @transform_11, window_bounds = array<i64: 128, 64>}, {pipeline_mode = #tpu.pipeline_mode<synchronous>, transform_indices = @transform_12, window_bounds = array<i64: 1, 64>}, {pipeline_mode = #tpu.pipeline_mode<synchronous>, transform_indices = @transform_13, window_bounds = array<i64: 64, 32>}, {pipeline_mode = #tpu.pipeline_mode<synchronous>, transform_indices = @transform_14, window_bounds = array<i64: 1, 32>}, {pipeline_mode = #tpu.pipeline_mode<synchronous>, transform_indices = @transform_15, window_bounds = array<i64: 32, 1>}, {pipeline_mode = #tpu.pipeline_mode<synchronous>, transform_indices = @transform_16, window_bounds = array<i64: 1, 1>}, {pipeline_mode = #tpu.pipeline_mode<synchronous>, transform_indices = @transform_17, window_bounds = array<i64: 256, 1>}]} {
    %eq3A = arith.constant 0 : i32
    %eq3A_0 = arith.cmpi eq, %arg0, %eq3A : i32
    %convert_element_type3A = arith.extui %eq3A_0 : i1 to i32
    %cond3A = arith.constant 0 : i32
    %cond3A_1 = arith.cmpi ne, %convert_element_type3A, %cond3A : i32
    scf.if %cond3A_1 {
      %broadcast_in_dim3A_65 = arith.constant 0.000000e+00 : f32
      %broadcast_in_dim3A_66 = vector.broadcast %broadcast_in_dim3A_65 : f32 to vector<256x128xf32>
      %swap3A_67 = arith.constant 0 : index
      %swap3A_68 = arith.constant 0 : index
      %swap3A_69 = vector.load %arg19[%swap3A_67, %swap3A_68] : memref<256x128xf32, #tpu.memory_space<vmem>>, vector<256x128xf32>
      tpu.vector_store %arg19[%swap3A_67, %swap3A_68], %broadcast_in_dim3A_66 {strides = array<i32>} : memref<256x128xf32, #tpu.memory_space<vmem>>, vector<256x128xf32>,
      %broadcast_in_dim3A_70 = arith.constant 0.000000e+00 : f32
      %broadcast_in_dim3A_71 = vector.broadcast %broadcast_in_dim3A_70 : f32 to vector<256x1xf32>
      %swap3A_72 = arith.constant 0 : index
      %swap3A_73 = arith.constant 0 : index
      %swap3A_74 = vector.load %arg20[%swap3A_72, %swap3A_73] : memref<256x1xf32, #tpu.memory_space<vmem>>, vector<256x1xf32>
      tpu.vector_store %arg20[%swap3A_72, %swap3A_73], %broadcast_in_dim3A_71 {strides = array<i32>} : memref<256x1xf32, #tpu.memory_space<vmem>>, vector<256x1xf32>,
    } else {
    }
    %get3A = arith.constant 0 : index
    %get3A_2 = arith.constant 0 : index
    %get3A_3 = arith.constant 0 : index
    %get3A_4 = vector.load %arg2[%get3A, %get3A_2, %get3A_3] : memref<2x2000x128xf32, #tpu.memory_space<vmem>>, vector<1x2000x1xf32>
    %get3A_5 = vector.shape_cast %get3A_4 : vector<1x2000x1xf32> to vector<2000x1xf32>
    %get3A_6 = arith.constant 1 : index
    %get3A_7 = arith.constant 0 : index
    %get3A_8 = arith.constant 0 : index
    %get3A_9 = vector.load %arg2[%get3A_6, %get3A_7, %get3A_8] : memref<2x2000x128xf32, #tpu.memory_space<vmem>>, vector<1x2000x1xf32>
    %get3A_10 = vector.shape_cast %get3A_9 : vector<1x2000x1xf32> to vector<2000x1xf32>
    %add3A = arith.addf %get3A_5, %get3A_10 : vector<2000x1xf32>
    %add3A_11 = arith.constant 1.000000e+00 : f32
    %add3A_12 = vector.broadcast %add3A_11 : f32 to vector<2000x1xf32>
    %add3A_13 = arith.addf %add3A, %add3A_12 : vector<2000x1xf32>
    %rsqrt3A = math.rsqrt %add3A_13 : vector<2000x1xf32>
    %get3A_14 = arith.constant 0 : index
    %get3A_15 = arith.constant 0 : index
    %get3A_16 = arith.constant 0 : index
    %get3A_17 = vector.load %arg1[%get3A_14, %get3A_15, %get3A_16] : memref<2x2000x128xf32, #tpu.memory_space<vmem>>, vector<1x2000x128xf32>
    %get3A_18 = vector.shape_cast %get3A_17 : vector<1x2000x128xf32> to vector<2000x128xf32>
    %get3A_19 = arith.constant 1 : index
    %get3A_20 = arith.constant 0 : index
    %get3A_21 = arith.constant 0 : index
    %get3A_22 = vector.load %arg1[%get3A_19, %get3A_20, %get3A_21] : memref<2x2000x128xf32, #tpu.memory_space<vmem>>, vector<1x2000x128xf32>
    %get3A_23 = vector.shape_cast %get3A_22 : vector<1x2000x128xf32> to vector<2000x128xf32>
    %add3A_24 = arith.addf %get3A_18, %get3A_23 : vector<2000x128xf32>
    %get3A_25 = arith.constant 0 : index
    %get3A_26 = arith.constant 0 : index
    %get3A_27 = vector.load %arg3[%get3A_25, %get3A_26] : memref<2000x128xf32, #tpu.memory_space<vmem>>, vector<2000x128xf32>
    %add3A_28 = arith.addf %add3A_24, %get3A_27 : vector<2000x128xf32>
    %mul3A = vector.broadcast %rsqrt3A : vector<2000x1xf32> to vector<2000x128xf32>
    %mul3A_29 = arith.mulf %mul3A, %add3A_28 : vector<2000x128xf32>
    %get3A_30 = arith.constant 0 : index
    %get3A_31 = arith.constant 0 : index
    %get3A_32 = vector.load %arg4[%get3A_30, %get3A_31] : memref<1x128xf32, #tpu.memory_space<vmem>>, vector<1x128xf32>
    %add3A_33 = vector.broadcast %get3A_32 : vector<1x128xf32> to vector<2000x128xf32>
    %add3A_34 = arith.addf %mul3A_29, %add3A_33 : vector<2000x128xf32>
    %get3A_35 = arith.constant 0 : index
    %get3A_36 = arith.constant 0 : index
    %get3A_37 = arith.constant 0 : index
    %get3A_38 = vector.load %arg5[%get3A_35, %get3A_36, %get3A_37] : memref<1x1x2000xi32, #tpu.memory_space<vmem>>, vector<1x1x2000xi32>
    %get3A_39 = vector.shape_cast %get3A_38 : vector<1x1x2000xi32> to vector<2000xi32>
    %iota3A = tpu.iota {dimensions = array<i32: 0>} : vector<256x2000xi32>
    %broadcast_in_dim3A = vector.shape_cast %get3A_39 : vector<2000xi32> to vector<1x2000xi32>
    %eq3A_40 = vector.broadcast %broadcast_in_dim3A : vector<1x2000xi32> to vector<256x2000xi32>
    %eq3A_41 = arith.cmpi eq, %iota3A, %eq3A_40 : vector<256x2000xi32>
    %convert_element_type3A_42 = arith.extui %eq3A_41 : vector<256x2000xi1> to vector<256x2000xi32>
    %convert_element_type3A_43 = arith.sitofp %convert_element_type3A_42 : vector<256x2000xi32> to vector<256x2000xf32>
    %get3A_44 = arith.constant 0 : index
    %get3A_45 = arith.constant 0 : index
    %get3A_46 = vector.load %arg19[%get3A_44, %get3A_45] : memref<256x128xf32, #tpu.memory_space<vmem>>, vector<256x128xf32>
    %dot_general3A = arith.constant dense<0.000000e+00> : vector<256x128xf32>
    %dot_general3A_47 = tpu.matmul %convert_element_type3A_43, %add3A_34, %dot_general3A {dimension_numbers = #tpu.dot_dimension_numbers<[1], [0], [0], [1], [0, 0, 1, 1], [], []>, transpose_lhs_hint = false} : vector<256x2000xf32>, vector<2000x128xf32>, vector<256x128xf32> -> vector<256x128xf32>
    %add3A_48 = arith.addf %get3A_46, %dot_general3A_47 : vector<256x128xf32>
    %swap3A = arith.constant 0 : index
    %swap3A_49 = arith.constant 0 : index
    %swap3A_50 = vector.load %arg19[%swap3A, %swap3A_49] : memref<256x128xf32, #tpu.memory_space<vmem>>, vector<256x128xf32>
    tpu.vector_store %arg19[%swap3A, %swap3A_49], %add3A_48 {strides = array<i32>} : memref<256x128xf32, #tpu.memory_space<vmem>>, vector<256x128xf32>,
    %get3A_51 = arith.constant 0 : index
    %get3A_52 = arith.constant 0 : index
    %get3A_53 = vector.load %arg20[%get3A_51, %get3A_52] : memref<256x1xf32, #tpu.memory_space<vmem>>, vector<256x1xf32>
    %reduce_sum3A = arith.constant dense<0.000000e+00> : vector<256xf32>
    %reduce_sum3A_54 = vector.multi_reduction <add>, %convert_element_type3A_43, %reduce_sum3A [1] : vector<256x2000xf32> to vector<256xf32>
    %broadcast_in_dim3A_55 = vector.shape_cast %reduce_sum3A_54 : vector<256xf32> to vector<256x1xf32>
    %add3A_56 = arith.addf %get3A_53, %broadcast_in_dim3A_55 : vector<256x1xf32>
    %swap3A_57 = arith.constant 0 : index
    %swap3A_58 = arith.constant 0 : index
    %swap3A_59 = vector.load %arg20[%swap3A_57, %swap3A_58] : memref<256x1xf32, #tpu.memory_space<vmem>>, vector<256x1xf32>
    tpu.vector_store %arg20[%swap3A_57, %swap3A_58], %add3A_56 {strides = array<i32>} : memref<256x1xf32, #tpu.memory_space<vmem>>, vector<256x1xf32>,
    %eq3A_60 = arith.constant 4 : i32
    %eq3A_61 = arith.cmpi eq, %arg0, %eq3A_60 : i32
    %convert_element_type3A_62 = arith.extui %eq3A_61 : i1 to i32
    %cond3A_63 = arith.constant 0 : i32
    %cond3A_64 = arith.cmpi ne, %convert_element_type3A_62, %cond3A_63 : i32
    scf.if %cond3A_64 {
      %get3A_65 = arith.constant 0 : index
      %get3A_66 = arith.constant 0 : index
      %get3A_67 = vector.load %arg20[%get3A_65, %get3A_66] : memref<256x1xf32, #tpu.memory_space<vmem>>, vector<256x1xf32>
      %get3A_68 = arith.constant 0 : index
      %get3A_69 = arith.constant 0 : index
      %get3A_70 = vector.load %arg19[%get3A_68, %get3A_69] : memref<256x128xf32, #tpu.memory_space<vmem>>, vector<256x128xf32>
      %max3A = arith.constant 1.000000e+00 : f32
      %max3A_71 = vector.broadcast %max3A : f32 to vector<256x1xf32>
      %max3A_72 = arith.maximumf %get3A_67, %max3A_71 : vector<256x1xf32>
      %div3A = vector.broadcast %max3A_72 : vector<256x1xf32> to vector<256x128xf32>
      %div3A_73 = arith.divf %get3A_70, %div3A : vector<256x128xf32>
      %get3A_74 = arith.constant 0 : index
      %get3A_75 = arith.constant 0 : index
      %get3A_76 = vector.load %arg6[%get3A_74, %get3A_75] : memref<256x1xf32, #tpu.memory_space<vmem>>, vector<256x1xf32>
      %get3A_77 = arith.constant 0 : index
      %get3A_78 = arith.constant 0 : index
      %get3A_79 = vector.load %arg7[%get3A_77, %get3A_78] : memref<256x1xf32, #tpu.memory_space<vmem>>, vector<256x1xf32>
      %add3A_80 = arith.addf %get3A_76, %get3A_79 : vector<256x1xf32>
      %get3A_81 = arith.constant 0 : index
      %get3A_82 = arith.constant 0 : index
      %get3A_83 = vector.load %arg8[%get3A_81, %get3A_82] : memref<256x1xf32, #tpu.memory_space<vmem>>, vector<256x1xf32>
      %add3A_84 = arith.addf %add3A_80, %get3A_83 : vector<256x1xf32>
      %div3A_85 = arith.constant 3.000000e+00 : f32
      %div3A_86 = vector.broadcast %div3A_85 : f32 to vector<256x1xf32>
      %div3A_87 = arith.divf %add3A_84, %div3A_86 : vector<256x1xf32>
      %gt3A = arith.constant 0.000000e+00 : f32
      %gt3A_88 = vector.broadcast %gt3A : f32 to vector<256x1xf32>
      %gt3A_89 = arith.cmpf ogt, %get3A_67, %gt3A_88 : vector<256x1xf32>
      %jit3A = arith.constant 0.000000e+00 : f32
      %broadcast_in_dim3A_90 = vector.broadcast %jit3A : f32 to vector<256x1xf32>
      %select_n3A = arith.select %gt3A_89, %div3A_87, %broadcast_in_dim3A_90 : vector<256x1xi1>, vector<256x1xf32>
      %get3A_91 = arith.constant 0 : index
      %get3A_92 = arith.constant 0 : index
      %get3A_93 = vector.load %arg9[%get3A_91, %get3A_92] : memref<128x128xf32, #tpu.memory_space<vmem>>, vector<128x128xf32>
      %dot_general3A_94 = arith.constant dense<0.000000e+00> : vector<256x128xf32>
      %dot_general3A_95 = tpu.matmul %div3A_73, %get3A_93, %dot_general3A_94 {dimension_numbers = #tpu.dot_dimension_numbers<[1], [0], [0], [1], [0, 0, 1, 1], [], []>, transpose_lhs_hint = false} : vector<256x128xf32>, vector<128x128xf32>, vector<256x128xf32> -> vector<256x128xf32>
      %get3A_96 = arith.constant 0 : index
      %get3A_97 = arith.constant 0 : index
      %get3A_98 = vector.load %arg10[%get3A_96, %get3A_97] : memref<1x128xf32, #tpu.memory_space<vmem>>, vector<1x128xf32>
      %mul3A_99 = vector.broadcast %select_n3A : vector<256x1xf32> to vector<256x128xf32>
      %mul3A_100 = vector.broadcast %get3A_98 : vector<1x128xf32> to vector<256x128xf32>
      %mul3A_101 = arith.mulf %mul3A_99, %mul3A_100 : vector<256x128xf32>
      %add3A_102 = arith.addf %dot_general3A_95, %mul3A_101 : vector<256x128xf32>
      %get3A_103 = arith.constant 0 : index
      %get3A_104 = arith.constant 0 : index
      %get3A_105 = vector.load %arg11[%get3A_103, %get3A_104] : memref<1x128xf32, #tpu.memory_space<vmem>>, vector<1x128xf32>
      %add3A_106 = vector.broadcast %get3A_105 : vector<1x128xf32> to vector<256x128xf32>
      %add3A_107 = arith.addf %add3A_102, %add3A_106 : vector<256x128xf32>
      %max3A_108 = arith.constant 0.000000e+00 : f32
      %max3A_109 = vector.broadcast %max3A_108 : f32 to vector<256x128xf32>
      %max3A_110 = arith.maximumf %add3A_107, %max3A_109 : vector<256x128xf32>
      %get3A_111 = arith.constant 0 : index
      %get3A_112 = arith.constant 0 : index
      %get3A_113 = vector.load %arg12[%get3A_111, %get3A_112] : memref<128x64xf32, #tpu.memory_space<vmem>>, vector<128x64xf32>
      %dot_general3A_114 = arith.constant dense<0.000000e+00> : vector<256x64xf32>
      %dot_general3A_115 = tpu.matmul %max3A_110, %get3A_113, %dot_general3A_114 {dimension_numbers = #tpu.dot_dimension_numbers<[1], [0], [0], [1], [0, 0, 1, 1], [], []>, transpose_lhs_hint = false} : vector<256x128xf32>, vector<128x64xf32>, vector<256x64xf32> -> vector<256x64xf32>
      %get3A_116 = arith.constant 0 : index
      %get3A_117 = arith.constant 0 : index
      %get3A_118 = vector.load %arg13[%get3A_116, %get3A_117] : memref<1x64xf32, #tpu.memory_space<vmem>>, vector<1x64xf32>
      %add3A_119 = vector.broadcast %get3A_118 : vector<1x64xf32> to vector<256x64xf32>
      %add3A_120 = arith.addf %dot_general3A_115, %add3A_119 : vector<256x64xf32>
      %max3A_121 = arith.constant 0.000000e+00 : f32
      %max3A_122 = vector.broadcast %max3A_121 : f32 to vector<256x64xf32>
      %max3A_123 = arith.maximumf %add3A_120, %max3A_122 : vector<256x64xf32>
      %get3A_124 = arith.constant 0 : index
      %get3A_125 = arith.constant 0 : index
      %get3A_126 = vector.load %arg14[%get3A_124, %get3A_125] : memref<64x32xf32, #tpu.memory_space<vmem>>, vector<64x32xf32>
      %dot_general3A_127 = arith.constant dense<0.000000e+00> : vector<256x32xf32>
      %dot_general3A_128 = tpu.matmul %max3A_123, %get3A_126, %dot_general3A_127 {dimension_numbers = #tpu.dot_dimension_numbers<[1], [0], [0], [1], [0, 0, 1, 1], [], []>, transpose_lhs_hint = false} : vector<256x64xf32>, vector<64x32xf32>, vector<256x32xf32> -> vector<256x32xf32>
      %get3A_129 = arith.constant 0 : index
      %get3A_130 = arith.constant 0 : index
      %get3A_131 = vector.load %arg15[%get3A_129, %get3A_130] : memref<1x32xf32, #tpu.memory_space<vmem>>, vector<1x32xf32>
      %add3A_132 = vector.broadcast %get3A_131 : vector<1x32xf32> to vector<256x32xf32>
      %add3A_133 = arith.addf %dot_general3A_128, %add3A_132 : vector<256x32xf32>
      %max3A_134 = arith.constant 0.000000e+00 : f32
      %max3A_135 = vector.broadcast %max3A_134 : f32 to vector<256x32xf32>
      %max3A_136 = arith.maximumf %add3A_133, %max3A_135 : vector<256x32xf32>
      %get3A_137 = arith.constant 0 : index
      %get3A_138 = arith.constant 0 : index
      %get3A_139 = vector.load %arg16[%get3A_137, %get3A_138] : memref<32x1xf32, #tpu.memory_space<vmem>>, vector<32x1xf32>
      %dot_general3A_140 = arith.constant dense<0.000000e+00> : vector<256x1xf32>
      %dot_general3A_141 = tpu.matmul %max3A_136, %get3A_139, %dot_general3A_140 {dimension_numbers = #tpu.dot_dimension_numbers<[1], [0], [0], [1], [0, 0, 1, 1], [], []>, transpose_lhs_hint = false} : vector<256x32xf32>, vector<32x1xf32>, vector<256x1xf32> -> vector<256x1xf32>
      %get3A_142 = arith.constant 0 : index
      %get3A_143 = arith.constant 0 : index
      %get3A_144 = vector.load %arg17[%get3A_142, %get3A_143] : memref<1x1xf32, #tpu.memory_space<vmem>>, vector<1x1xf32>
      %add3A_145 = vector.broadcast %get3A_144 : vector<1x1xf32> to vector<256x1xf32>
      %add3A_146 = arith.addf %dot_general3A_141, %add3A_145 : vector<256x1xf32>
      %swap3A_147 = arith.constant 0 : index
      %swap3A_148 = arith.constant 0 : index
      %swap3A_149 = vector.load %arg18[%swap3A_147, %swap3A_148] : memref<256x1xf32, #tpu.memory_space<vmem>>, vector<256x1xf32>
      tpu.vector_store %arg18[%swap3A_147, %swap3A_148], %add3A_146 {strides = array<i32>} : memref<256x1xf32, #tpu.memory_space<vmem>>, vector<256x1xf32>,
    } else {
    }
    return
  }
  func.func @transform_0(%arg0: i32) -> (i32, i32, i32) {
    %c0_i32 = arith.constant 0 : i32
    %c0_i32_0 = arith.constant 0 : i32
    %c0_i32_1 = arith.constant 0 : i32
    return %c0_i32, %arg0, %c0_i32_0 : i32, i32, i32
  }
  func.func @transform_1(%arg0: i32) -> (i32, i32, i32) {
    %c0_i32 = arith.constant 0 : i32
    %c0_i32_0 = arith.constant 0 : i32
    %c0_i32_1 = arith.constant 0 : i32
    return %c0_i32, %arg0, %c0_i32_0 : i32, i32, i32
  }
  func.func @transform_2(%arg0: i32) -> (i32, i32) {
    %c0_i32 = arith.constant 0 : i32
    %c0_i32_0 = arith.constant 0 : i32
    return %arg0, %c0_i32 : i32, i32
  }
  func.func @transform_3(%arg0: i32) -> (i32, i32) {
    %c0_i32 = arith.constant 0 : i32
    %c0_i32_0 = arith.constant 0 : i32
    %c0_i32_1 = arith.constant 0 : i32
    return %c0_i32, %c0_i32_0 : i32, i32
  }
  func.func @transform_4(%arg0: i32) -> (i32, i32, i32) {
    %c0_i32 = arith.constant 0 : i32
    %c0_i32_0 = arith.constant 0 : i32
    %c0_i32_1 = arith.constant 0 : i32
    return %arg0, %c0_i32, %c0_i32_0 : i32, i32, i32
  }
  func.func @transform_5(%arg0: i32) -> (i32, i32) {
    %c0_i32 = arith.constant 0 : i32
    %c0_i32_0 = arith.constant 0 : i32
    %c0_i32_1 = arith.constant 0 : i32
    return %c0_i32, %c0_i32_0 : i32, i32
  }
  func.func @transform_6(%arg0: i32) -> (i32, i32) {
    %c0_i32 = arith.constant 0 : i32
    %c0_i32_0 = arith.constant 0 : i32
    %c0_i32_1 = arith.constant 0 : i32
    return %c0_i32, %c0_i32_0 : i32, i32
  }
  func.func @transform_7(%arg0: i32) -> (i32, i32) {
    %c0_i32 = arith.constant 0 : i32
    %c0_i32_0 = arith.constant 0 : i32
    %c0_i32_1 = arith.constant 0 : i32
    return %c0_i32, %c0_i32_0 : i32, i32
  }
  func.func @transform_8(%arg0: i32) -> (i32, i32) {
    %c0_i32 = arith.constant 0 : i32
    %c0_i32_0 = arith.constant 0 : i32
    %c0_i32_1 = arith.constant 0 : i32
    return %c0_i32, %c0_i32_0 : i32, i32
  }
  func.func @transform_9(%arg0: i32) -> (i32, i32) {
    %c0_i32 = arith.constant 0 : i32
    %c0_i32_0 = arith.constant 0 : i32
    %c0_i32_1 = arith.constant 0 : i32
    return %c0_i32, %c0_i32_0 : i32, i32
  }
  func.func @transform_10(%arg0: i32) -> (i32, i32) {
    %c0_i32 = arith.constant 0 : i32
    %c0_i32_0 = arith.constant 0 : i32
    %c0_i32_1 = arith.constant 0 : i32
    return %c0_i32, %c0_i32_0 : i32, i32
  }
  func.func @transform_11(%arg0: i32) -> (i32, i32) {
    %c0_i32 = arith.constant 0 : i32
    %c0_i32_0 = arith.constant 0 : i32
    %c0_i32_1 = arith.constant 0 : i32
    return %c0_i32, %c0_i32_0 : i32, i32
  }
  func.func @transform_12(%arg0: i32) -> (i32, i32) {
    %c0_i32 = arith.constant 0 : i32
    %c0_i32_0 = arith.constant 0 : i32
    %c0_i32_1 = arith.constant 0 : i32
    return %c0_i32, %c0_i32_0 : i32, i32
  }
  func.func @transform_13(%arg0: i32) -> (i32, i32) {
    %c0_i32 = arith.constant 0 : i32
    %c0_i32_0 = arith.constant 0 : i32
    %c0_i32_1 = arith.constant 0 : i32
    return %c0_i32, %c0_i32_0 : i32, i32
  }
  func.func @transform_14(%arg0: i32) -> (i32, i32) {
    %c0_i32 = arith.constant 0 : i32
    %c0_i32_0 = arith.constant 0 : i32
    %c0_i32_1 = arith.constant 0 : i32
    return %c0_i32, %c0_i32_0 : i32, i32
  }
  func.func @transform_15(%arg0: i32) -> (i32, i32) {
    %c0_i32 = arith.constant 0 : i32
    %c0_i32_0 = arith.constant 0 : i32
    %c0_i32_1 = arith.constant 0 : i32
    return %c0_i32, %c0_i32_0 : i32, i32
  }
  func.func @transform_16(%arg0: i32) -> (i32, i32) {
    %c0_i32 = arith.constant 0 : i32
    %c0_i32_0 = arith.constant 0 : i32
    %c0_i32_1 = arith.constant 0 : i32
    return %c0_i32, %c0_i32_0 : i32, i32
  }
  func.func @transform_17(%arg0: i32) -> (i32, i32) {
    %c0_i32 = arith.constant 0 : i32
    %c0_i32_0 = arith.constant 0 : i32
    %c0_i32_1 = arith.constant 0 : i32
    return %c0_i32, %c0_i32_0 : i32, i32
  }
}

</mosaic_0001>

<sc_bundles>
// kernel: kernel.11.cloned.1.call-start
scs
__scs_entry_jumppad:
0x0: {  	(pc) =	sbr.rel $0x88, $3  }
0x1: {  	(tag) =	ssettag $0x0;
	lr =	simm.s32 $0x1  }
0x2: {  	[smem:$0x3F8D] =	sst lr;
	_ =	strace $0xD0000000  }
0x3: {  	_ = 	snop  }
0x4: {  	_ = 	snop  }
0x5: {  	_ = 	snop  }
0x6: {  	_ = 	snop  }
0x7: {  	_ = 	snop  }
__scs_overlays_trampoline_lowered:
0x8: {  	[smem:$0x3F9C] =	sst s0  }
0x9: {  	[smem:$0x3F9D] =	sst s1  }
0xa: {  	[smem:$0x3F9E] =	sst s2  }
0xb: {  	[smem:$0x3F9F] =	sst s3  }
0xc: {  	[smem:$0x3FA0] =	sst s4  }
0xd: {  	[smem:$0x3FA1] =	sst s5  }
0xe: {  	[smem:$0x3FA2] =	sst s6  }
0xf: {  	[smem:$0x3FA3] =	sst s7  }
0x10: {  	[smem:$0x3FA4] =	sst s8  }
0x11: {  	[smem:$0x3FA5] =	sst s9;
	s0 =	simm.s32 @!p0 $0x0  }
0x12: {  	s1 =	sld [smem:$0x3F8B];
	s0 =	simm.s32 @p0 $0x1  }
0x13: {  	[smem:$0x3FA6] =	sst s0;
	s0 =	simm.s32 @!p1 $0x0  }
0x14: {  	s2 =	sld [smem:$0x3F8A];
	s0 =	simm.s32 @p1 $0x1  }
0x15: {  	[smem:$0x3FA7] =	sst s0;
	s0 =	simm.s32 @!p2 $0x0  }
0x16: {  	s3 =	sld [smem:$0x3FDB];
	s0 =	simm.s32 @p2 $0x1  }
0x17: {  	s4 =	simm.s32 $0x1BF5;
	[smem:$0x3FA9] =	sst s0  }
0x18: {  	s0 =	sld [smem:$0x3F8C];
	_ =	swait.ge [sflag:s4], $0x0  }
0x19: {  	s7 =	sld [smem:$0x3F8D]  }
0x1a: {  	s8 =	sadd.s32 $0xFFFFE003, lr  }
0x1b: {  	s9 =	sadd.s32 $0xFFFFFEF7, lr;
	s5 =	simm.s32 $0xFFFFFFFF;
	p2 =	slt.u32 s8, $0xFFFFF086  }
0x1c: {  	p1 =	slt.u32 s9, $0xF7A;
	s5 =	simm.s32 @!p2 $0x0  }
0x1d: {  	s5 =	simm.s32 @p1 $0x1;
	p0 =	seq.s32 s7, s2  }
0x1e: {  	s7 =	smul.u32 @!p0 $0xF7A, s2;
	p2 =	seq.s32 @!p0 s5, $0x0  }
0x1f: {  	s9 =	smul.u32 $0xF7A, s1;
	s8 =	simm.s32 @!p0 $0x1BF5;
	p2 =	por !p2, p0  }
0x20: {  	[sflag:s8] =	ssyncset.s32 @!p0 $0xFFFFF086;
	s6 =	sadd.s32 @!p0 s3, s7;
	s7 =	simm.s32 @!p0 $0x108  }
0x21: {  	s3 =	sadd.s32 s3, s9;
	s6 =	sadd.s32 @!p0 $0x88, s6;
	s7 =	simm.s32 @p2 $0x1082  }
0x22: {  	[simem:s7], [sflag:s8] =	dma.local @!p0 [hbm:s6], $0xF7A  }
0x23: {  	s9 =	sor.u32 $0xD0000000, s2;
	s6 =	simm.s32 $0x108;
	_ =	swait.ge @!p0 [sflag:s8], $0x0  }
0x24: {  	s3 =	sadd.s32 $0x88, s3;
	s6 =	simm.s32 @!p1 $0x1082;
	[sflag:s4] =	ssyncset.s32 $0xFFFFF086  }
0x25: {  	[simem:s6], [sflag:s4] =	dma.local [hbm:s3], $0xF7A  }
0x26: {  	[smem:$0x3F8D] =	sst s1;
	(tag) =	ssettag s2;
	_ =	strace s9  }
0x27: {  	s1 =	sld [smem:$0x3F9D]  }
0x28: {  	s2 =	sld [smem:$0x3F9E]  }
0x29: {  	s4 =	sld [smem:$0x3FA0]  }
0x2a: {  	p0 =	seq.s32 s5, $0x0;
	s5 =	sld [smem:$0x3FA1]  }
0x2b: {  	s6 =	sld [smem:$0x3FA2]  }
0x2c: {  	s7 =	sld [smem:$0x3FA3]  }
0x2d: {  	s3 =	simm.s32 $0x108;
	s8 =	sld [smem:$0x3FA4]  }
0x2e: {  	s3 =	simm.s32 @!p0 $0x1082;
	s9 =	sld [smem:$0x3FA5]  }
0x2f: {  	lr =	sadd.s32 s0, s3;
	s0 =	sld [smem:$0x3F9C]  }
0x30: {  	s3 =	sld [smem:$0x3F9F]  }
0x31: {  	[smem:$0x3FA8] =	sst s10  }
0x32: {  	s10 =	sld [smem:$0x3FA6];
	_ =	sdelay $0x3  }
0x33: {  	p0 =	seq.s32 s10, $0x1;
	s10 =	sld [smem:$0x3FA8];
	_ =	sdelay $0x3  }
0x34: {  	[smem:$0x3FA8] =	sst s10  }
0x35: {  	s10 =	sld [smem:$0x3FA7];
	_ =	sdelay $0x3  }
0x36: {  	p1 =	seq.s32 s10, $0x1;
	s10 =	sld [smem:$0x3FA8];
	_ =	sdelay $0x3  }
0x37: {  	[smem:$0x3FA8] =	sst s10  }
0x38: {  	s10 =	sld [smem:$0x3FA9]  }
0x39: {  	_ = 	snop;
	(pc) =	sbr.ind lr, $3  }
0x3a: {  	_ = 	snop  }
0x3b: {  	_ = 	snop  }
0x3c: {  	p2 =	seq.s32 s10, $0x1;
	s10 =	sld [smem:$0x3FA8]  }
0x3d: {  	_ =	shalt  }
0x3e: {  	_ =	shalt  }
0x3f: {  	_ =	shalt  }
0x40: {  	_ =	shalt  }
0x41: {  	_ =	shalt  }
0x42: {  	_ =	shalt  }
0x43: {  	_ =	shalt  }
0x44: {  	_ =	shalt  }
0x45: {  	_ =	shalt  }
0x46: {  	_ =	shalt  }
0x47: {  	_ =	shalt  }
0x48: {  	_ =	shalt  }
0x49: {  	_ =	shalt  }
0x4a: {  	_ =	shalt  }
0x4b: {  	_ =	shalt  }
0x4c: {  	_ =	shalt  }
0x4d: {  	_ =	shalt  }
0x4e: {  	_ =	shalt  }
0x4f: {  	_ =	shalt  }
0x50: {  	_ =	shalt  }
0x51: {  	_ =	shalt  }
0x52: {  	_ =	shalt  }
0x53: {  	_ =	shalt  }
0x54: {  	_ =	shalt  }
0x55: {  	_ =	shalt  }
0x56: {  	_ =	shalt  }
0x57: {  	_ =	shalt  }
0x58: {  	_ =	shalt  }
0x59: {  	_ =	shalt  }
0x5a: {  	_ =	shalt  }
0x5b: {  	_ =	shalt  }
0x5c: {  	_ =	shalt  }
0x5d: {  	_ =	shalt  }
0x5e: {  	_ =	shalt  }
0x5f: {  	_ =	shalt  }
0x60: {  	_ =	shalt  }
0x61: {  	_ =	shalt  }
0x62: {  	_ =	shalt  }
0x63: {  	_ =	shalt  }
0x64: {  	_ =	shalt  }
0x65: {  	_ =	shalt  }
0x66: {  	_ =	shalt  }
0x67: {  	_ =	shalt  }
0x68: {  	_ =	shalt  }
0x69: {  	_ =	shalt  }
0x6a: {  	_ =	shalt  }
0x6b: {  	_ =	shalt  }
0x6c: {  	_ =	shalt  }
0x6d: {  	_ =	shalt  }
0x6e: {  	_ =	shalt  }
0x6f: {  	_ =	shalt  }
0x70: {  	_ =	shalt  }
0x71: {  	_ =	shalt  }
0x72: {  	_ =	shalt  }
0x73: {  	_ =	shalt  }
0x74: {  	_ =	shalt  }
0x75: {  	_ =	shalt  }
0x76: {  	_ =	shalt  }
0x77: {  	_ =	shalt  }
0x78: {  	_ =	shalt  }
0x79: {  	_ =	shalt  }
0x7a: {  	_ =	shalt  }
0x7b: {  	_ =	shalt  }
0x7c: {  	_ =	shalt  }
0x7d: {  	_ =	shalt  }
0x7e: {  	_ =	shalt  }
0x7f: {  	_ =	shalt  }
0x80: {  	_ =	shalt  }
0x81: {  	_ =	shalt  }
0x82: {  	_ =	shalt  }
0x83: {  	_ =	shalt  }
0x84: {  	_ =	shalt  }
0x85: {  	_ =	shalt  }
0x86: {  	_ =	shalt  }
0x87: {  	_ =	shalt  }
.Lfunc_end0:
.L_simem_size_0:
called_computation_lowered:
.L_overlay_start_0:
0x88: {  	s2 =	sld [smem:$0x3FD9]  }
0x89: {  	s3 =	sld [smem:$0x3FFE];
	_ =	sdelay $0x1  }
0x8a: {  	s1 =	srdreg.scid  }
0x8b: {  	s0 =	sand.u32 $0x1, s1  }
0x8c: {  	s16 =	sshll.u32 s0, $0xA;
	s2 =	sadd.s32 s3, s2  }
0x8d: {  	s2 =	sadd.s32 s2, s16  }
0x8e: {  	[smem:$0x3FB4] =	sst s2  }
0x8f: {  	_ = 	snop  }
0x90: {  	(tm) =	ssettm $0x1  }
0x91: {  	s17 =	sld [smem:$0x3FFB];
	_ =	sdelay $0x3  }
0x92: {  	_ =	strace s17  }
0x93: {  	s2 =	sld [smem:$0x3FFC];
	_ =	sdelay $0x3  }
0x94: {  	_ =	strace s2  }
0x95: {  	s2 =	sld [smem:$0x3FFD];
	_ =	sdelay $0x3  }
0x96: {  	_ =	strace s2  }
0x97: {  	_ =	strace $0x8FFFFFFF  }
0x98: {  	s18 =	sld [smem:$0x3FDB];
	_ =	sdelay $0x1  }
0x99: {  	s19 =	simm.s32 $_scs_section_size  }
0x9a: {  	s4 =	simm.s32 $_size__tile_overlayer_lowered;
	s5 =	simm.s32 $_tile_overlayer_lowered  }
0x9b: {  	s22 =	simm.s32 $0x1BFF;
	s21 =	sshll.u32 s5, $0x1;
	s2 =	sadd.s32 s19, s18  }
0x9c: {  	s6 =	simm.s32 $0x0;
	s20 =	sshll.u32 s4, $0x1;
	s4 =	sadd.s32 s21, s2  }
0x9d: {  	[timem:s6], [sflag:s22] =	dma.local [hbm:s4], s20  }
0x9e: {  	_ =	swait.ge [sflag:s22], s20  }
0x9f: {  	s3 =	ssub.s32 $0x0, s20;
	[sflag:s22] =	ssyncset.done $0x0  }
0xa0: {  	[sflag:s22] =	ssyncadd.s32 s3;
	_ =	sdelay $0x1  }
0xa1: {  	s23 =	simm.s32 $0x1B8B  }
0xa2: {  	_ =	swait.ge [sflag:s23], $0x1  }
0xa3: {  	[sflag:s23] =	ssyncset.done $0x0  }
0xa4: {  	s25 =	simm.s32 $0x1B8E;
	s24 =	sld [smem:$0x3FFE];
	[sflag:s23] =	ssyncadd.s32 $0xFFFFFFFF  }
0xa5: {  	s26 =	simm.s32 $execute0_lowered;
	[smem:$0x3FD2] =	sst s25  }
0xa6: {  	s4 =	sshll.u32 s26, $0x1;
	_ =	strace $0x80000046;
	[dreg:$0x1] =	wrdreg $0xFFFFFFFF  }
0xa7: {  	s28 =	simm.s32 $_size_execute0_lowered;
	s2 =	sadd.s32 s2, s4;
	[dreg:$0x0] =	wrdreg $0x0  }
0xa8: {  	s4 =	sshll.u32 s28, $0x1;
	[dreg:$0x2] =	wrdreg s2  }
0xa9: {  	[dreg:$0x3] =	wrdreg s4  }
0xaa: {  	[dreg:$0x4] =	wrdreg $0xC0  }
0xab: {  	_ =	task [dreg:s6], $0x5FFFF  }
0xac: {  	[dreg:$0x1] =	wrdreg $0xFFFFFFFF  }
0xad: {  	[dreg:$0x0] =	wrdreg $0x60  }
0xae: {  	[dreg:$0x2] =	wrdreg s24  }
0xaf: {  	[dreg:$0x3] =	wrdreg $0x68000  }
0xb0: {  	[dreg:$0x4] =	wrdreg $0x9  }
0xb1: {  	_ =	task.clear_ibuf [dreg:s6], $0x5FFFF;
	_ =	strace $0x90000046  }
0xb2: {  	s29 =	simm.s32 $0x9;
	_ =	strace $0x80000048  }
0xb3: {  	_ =	swait.ge [sflag:s29], $0x1  }
0xb4: {  	[sflag:s29] =	ssyncadd.s32 $0xFFFFFFFF  }
0xb5: {  	_ =	strace $0x90000048  }
0xb6: {  	_ =	sfence  }
0xb7: {  	s30 =	sld [smem:$0x0];
	_ =	sdelay $0x2  }
0xb8: {  	s31 =	sshll.u32 s1, $0xD;
	s1 =	sshrl.u32 s1, $0x2  }
0xb9: {  	s3 =	sand.u32 $0x4000, s31;
	s1 =	sadd.s32 s1, s30  }
0xba: {  	s0 =	sor.u32 s3, s0;
	s1 =	sshll.u32 s1, $0x11  }
0xbb: {  	s0 =	sor.u32 s1, s0  }
0xbc: {  	s0 =	sadd.s32 $0x8F2B, s0  }
0xbd: {  	[sflag:s0] =	ssyncadd.remote.s32 $0x1  }
0xbe: {  	_ =	sfence.sel $0xFFFF  }
0xbf: {  	[dreg:$0x0] =	wrdreg $0xFFFFFFFF;
	(pc) =	sbr.abs _section_cstart, $3  }
0xc0: {  	[dreg:$0x1] =	wrdreg $0xFFFFFFFF  }
0xc1: {  	_ =	task.clear_ibuf [dreg:s6], $0x2FFFF;
	_ =	strace $0x9FFFFFFF  }
0xc2: {  	(tm) =	ssettm $0x7FFFFFFF  }
0xc3: {  	_ =	shalt  }
tec
execute0_lowered:
.L_overlay_start_1:
0x0: {  	(tag) =	ssettag $0x1  }
0x1: {  	s1 =	srdreg.scid  }
0x2: {  	s0 =	stileid.u32;
	s5 =	rddreg [dreg:$0x0]  }
0x3: {  	s2 =	rddreg [dreg:$0x1];
	s3 =	simm.s32 $0x0;
	s14 =	simm.s32 $0x80  }
0x4: {  	s15 =	simm.s32 $0x0;
	s4 =	sand.u32 $0x1, s1;
	s7 =	smul.u32 $0x13C00, s0  }
0x5: {  	s24 =	sshll.u32 s0, $0x1;
	[smem:$0x7FF] =	sst s3;
	s28 =	smul.u32 $0x4F000, s0  }
0x6: {  	s31 =	sshll.u32 s0, $0x6;
	s1 =	sor.u32 s4, s24;
	s8 =	smul.u32 $0x13C000, s4  }
0x7: {  	s26 =	ssub.s32 $0x2, s4;
	s4 =	sadd.s32 $0x35E00, s5;
	s6 =	smul.u32 $0x500, s1  }
0x8: {  	s1 =	rddreg [dreg:$0x2];
	_ =	strace $0x80000047;
	s9 =	sshrl.u32 s7, $0x3  }
0x9: {  	s29 =	sshrl.u32 s26, $0x1;
	s30 =	sshrl.u32 s28, $0x2;
	s25 =	sadd.s32 s9, s5  }
0xa: {  	s7 =	sadd.s32 s7, s8;
	s12 =	ssub.s32 s26, s29;
	s13 =	sadd.s32 s30, s2  }
0xb: {  	s10 =	sadd.s32 s6, s5;
	s7 =	sshrl.u32 s7, $0x3;
	s6 =	sor.u32 $0x1C02, s31  }
0xc: {  	s9 =	smax.u32 s12, $0x1;
	s12 =	simm.s32 $0x2800;
	s11 =	sadd.s32 s7, s5  }
0xd: {  	s5 =	sadd.s32 $0xE600, s25;
	s7 =	sadd.s32 $0x4600, s10;
	s10 =	sshrl.u32 s13, $0x3  }
0xe: {  	s13 =	simm.s32 $0x1;
	s8 =	sadd.s32 $0x36600, s11;
	s11 =	simm.s32 $0x2  }
.LBB2_1:
0xf: {  	[spmem:s10], [sflag:s6] =	dma.local [hbm:s5], $0x2780  }
0x10: {  	_ =	swait.ge [sflag:s11], $0x2780  }
0x11: {  	[sflag:s11] =	ssyncset.done $0x0  }
0x12: {  	[sflag:s11] =	ssyncadd.s32 $0xFFFFD880  }
0x13: {  	[tilespmem:s3], [sflag:$0x2] =	stream.linear.gather [hbm4b:s7+s3], $0x2780, $0x38;
	[tilespmem:$0x1A400] =	vst v63  }
0x14: {  	_ =	swait.ge [sflag:s11], $0x2780  }
0x15: {  	[sflag:s11] =	ssyncset.done $0x0  }
0x16: {  	[sflag:s11] =	ssyncadd.s32 $0xFFFFD880  }
0x17: {  	[tilespmem:s12], [sflag:$0x1] =	stream.linear.gather [hbm4b:s4+s3], $0x4000, $0x38;
	[tilespmem:$0x1A400] =	vst v63  }
0x18: {  	_ =	swait.ge [sflag:s13], $0x4000  }
0x19: {  	[sflag:s13] =	ssyncset.done $0x0  }
0x1a: {  	[sflag:s13] =	ssyncadd.s32 $0xFFFFC000  }
0x1b: {  	s16 =	simm.s32 $0x0;
	[bflag:$0x0] =	sbarrier.arrive $0xFFFF  }
0x1c: {  	[spmem:s2] =	stream.indirect.scatter.add.f32 [tilespmem:s12], [sflag:$0x2], $0x80, s16, s14, $0xb8;
	[tilespmem:$0x1A400] =	vst v63  }
0x1d: {  	_ =	swait.ge [sflag:s11], $0x4000  }
0x1e: {  	s16 =	simm.s32 $0x200;
	[sflag:s11] =	ssyncset.done $0x0  }
.LBB2_2:
0x1f: {  	s17 =	sshra.s32 s16, $0x2;
	[sflag:s11] =	ssyncadd.s32 $0xFFFFC000;
	p0 =	sne.s32 s16, $0x9C00  }
0x20: {  	[spmem:s2] =	stream.indirect.scatter.add.f32 [tilespmem:s12], [sflag:$0x2], $0x80, s17, s14, $0xb8;
	[tilespmem:$0x1A400] =	vst v63  }
.Ltmp0:
0x21: {  	_ = 	snop;
	(pc) =	sbr.rel @p0 .LBB2_2-.Ltmp0, $4  }
0x22: {  	_ = 	snop  }
0x23: {  	s16 =	sadd.s32 $0x200, s16  }
0x24: {  	_ =	swait.ge [sflag:s11], $0x4000  }
0x25: {  	[sflag:s11] =	ssyncset.done $0x0  }
0x26: {  	s15 =	sadd.s32 $0x1, s15  }
0x27: {  	[sflag:s11] =	ssyncadd.s32 $0xFFFFC000;
	p0 =	sne.s32 s15, s9  }
.Ltmp1:
0x28: {  	[bflag:$0x0] =	sbarrier.arrive $0xFFFF;
	(pc) =	sbr.rel @p0 .LBB2_1-.Ltmp1, $4  }
0x29: {  	[hbm:s8], [sflag:s6] =	dma.local [spmem:s10], $0x2780  }
0x2a: {  	_ =	swait.ge [sflag:s11], $0x2780  }
0x2b: {  	[sflag:s11] =	ssyncset.done $0x0  }
0x2c: {  	[sflag:s11] =	ssyncadd.s32 $0xFFFFD880  }
0x2d: {  	_ =	sfence.sel $0x180000  }
0x2e: {  	[bflag:$0x0] =	sbarrier.arrive $0xFFFF  }
0x2f: {  	p0 =	sne.s32 s0, $0x0;
	_ =	strace $0x90000047  }
0x30: {  	s0 =	sadd.s32 @!p0 $0x100000, s1;
	[bflag:$0x2] =	sbarrier.arrive $0xFFFF  }
0x31: {  	[sflag:s0] =	ssyncadd.tile.s32 @!p0 $0x1;
	_ =	shalt  }
.Lfunc_end2:
_tile_overlayer_lowered:
.L_overlay_start_2:
0x32: {  	(tag) =	ssettag $0x2  }
0x33: {  	s0 =	rddreg [dreg:$0x0];
	s2 =	stileid.u32  }
0x34: {  	s1 =	rddreg [dreg:$0x1];
	p0 =	sne.s32 s2, $0x0  }
0x35: {  	s3 =	rddreg [dreg:$0x2];
	[bflag:$0x3] =	sbarrier.arrive $0xFFFF;
	s2 =	simm.s32 @!p0 $0x1C02  }
0x36: {  	[timem:s3], [sflag:s2] =	dma.local @!p0 [hbm:s0], s1  }
0x37: {  	s0 =	simm.s32 @!p0 $0x2  }
0x38: {  	_ =	swait.ge @!p0 [sflag:s0], s1  }
0x39: {  	s1 =	ssub.s32 @!p0 $0x0, s1;
	[sflag:s0] =	ssyncset.done @!p0 $0x0  }
0x3a: {  	[sflag:s0] =	ssyncadd.s32 @!p0 s1  }
0x3b: {  	[bflag:$0x3] =	sbarrier.arrive $0xFFFF  }
0x3c: {  	_ =	shalt  }

// kernel: kernel.14.cloned.1.call-start
scs
__scs_entry_jumppad:
0x0: {  	(pc) =	sbr.rel $0x88, $3  }
0x1: {  	(tag) =	ssettag $0x0;
	lr =	simm.s32 $0x1  }
0x2: {  	[smem:$0x3F8D] =	sst lr;
	_ =	strace $0xD0000000  }
0x3: {  	_ = 	snop  }
0x4: {  	_ = 	snop  }
0x5: {  	_ = 	snop  }
0x6: {  	_ = 	snop  }
0x7: {  	_ = 	snop  }
__scs_overlays_trampoline_lowered:
0x8: {  	[smem:$0x3F9C] =	sst s0  }
0x9: {  	[smem:$0x3F9D] =	sst s1  }
0xa: {  	[smem:$0x3F9E] =	sst s2  }
0xb: {  	[smem:$0x3F9F] =	sst s3  }
0xc: {  	[smem:$0x3FA0] =	sst s4  }
0xd: {  	[smem:$0x3FA1] =	sst s5  }
0xe: {  	[smem:$0x3FA2] =	sst s6  }
0xf: {  	[smem:$0x3FA3] =	sst s7  }
0x10: {  	[smem:$0x3FA4] =	sst s8  }
0x11: {  	[smem:$0x3FA5] =	sst s9;
	s0 =	simm.s32 @!p0 $0x0  }
0x12: {  	s1 =	sld [smem:$0x3F8B];
	s0 =	simm.s32 @p0 $0x1  }
0x13: {  	[smem:$0x3FA6] =	sst s0;
	s0 =	simm.s32 @!p1 $0x0  }
0x14: {  	s2 =	sld [smem:$0x3F8A];
	s0 =	simm.s32 @p1 $0x1  }
0x15: {  	[smem:$0x3FA7] =	sst s0;
	s0 =	simm.s32 @!p2 $0x0  }
0x16: {  	s3 =	sld [smem:$0x3FDB];
	s0 =	simm.s32 @p2 $0x1  }
0x17: {  	s4 =	simm.s32 $0x1BF5;
	[smem:$0x3FA9] =	sst s0  }
0x18: {  	s0 =	sld [smem:$0x3F8C];
	_ =	swait.ge [sflag:s4], $0x0  }
0x19: {  	s7 =	sld [smem:$0x3F8D]  }
0x1a: {  	s8 =	sadd.s32 $0xFFFFE003, lr  }
0x1b: {  	s9 =	sadd.s32 $0xFFFFFEF7, lr;
	s5 =	simm.s32 $0xFFFFFFFF;
	p2 =	slt.u32 s8, $0xFFFFF086  }
0x1c: {  	p1 =	slt.u32 s9, $0xF7A;
	s5 =	simm.s32 @!p2 $0x0  }
0x1d: {  	s5 =	simm.s32 @p1 $0x1;
	p0 =	seq.s32 s7, s2  }
0x1e: {  	s7 =	smul.u32 @!p0 $0xF7A, s2;
	p2 =	seq.s32 @!p0 s5, $0x0  }
0x1f: {  	s9 =	smul.u32 $0xF7A, s1;
	s8 =	simm.s32 @!p0 $0x1BF5;
	p2 =	por !p2, p0  }
0x20: {  	[sflag:s8] =	ssyncset.s32 @!p0 $0xFFFFF086;
	s6 =	sadd.s32 @!p0 s3, s7;
	s7 =	simm.s32 @!p0 $0x108  }
0x21: {  	s3 =	sadd.s32 s3, s9;
	s6 =	sadd.s32 @!p0 $0x88, s6;
	s7 =	simm.s32 @p2 $0x1082  }
0x22: {  	[simem:s7], [sflag:s8] =	dma.local @!p0 [hbm:s6], $0xF7A  }
0x23: {  	s9 =	sor.u32 $0xD0000000, s2;
	s6 =	simm.s32 $0x108;
	_ =	swait.ge @!p0 [sflag:s8], $0x0  }
0x24: {  	s3 =	sadd.s32 $0x88, s3;
	s6 =	simm.s32 @!p1 $0x1082;
	[sflag:s4] =	ssyncset.s32 $0xFFFFF086  }
0x25: {  	[simem:s6], [sflag:s4] =	dma.local [hbm:s3], $0xF7A  }
0x26: {  	[smem:$0x3F8D] =	sst s1;
	(tag) =	ssettag s2;
	_ =	strace s9  }
0x27: {  	s1 =	sld [smem:$0x3F9D]  }
0x28: {  	s2 =	sld [smem:$0x3F9E]  }
0x29: {  	s4 =	sld [smem:$0x3FA0]  }
0x2a: {  	p0 =	seq.s32 s5, $0x0;
	s5 =	sld [smem:$0x3FA1]  }
0x2b: {  	s6 =	sld [smem:$0x3FA2]  }
0x2c: {  	s7 =	sld [smem:$0x3FA3]  }
0x2d: {  	s3 =	simm.s32 $0x108;
	s8 =	sld [smem:$0x3FA4]  }
0x2e: {  	s3 =	simm.s32 @!p0 $0x1082;
	s9 =	sld [smem:$0x3FA5]  }
0x2f: {  	lr =	sadd.s32 s0, s3;
	s0 =	sld [smem:$0x3F9C]  }
0x30: {  	s3 =	sld [smem:$0x3F9F]  }
0x31: {  	[smem:$0x3FA8] =	sst s10  }
0x32: {  	s10 =	sld [smem:$0x3FA6];
	_ =	sdelay $0x3  }
0x33: {  	p0 =	seq.s32 s10, $0x1;
	s10 =	sld [smem:$0x3FA8];
	_ =	sdelay $0x3  }
0x34: {  	[smem:$0x3FA8] =	sst s10  }
0x35: {  	s10 =	sld [smem:$0x3FA7];
	_ =	sdelay $0x3  }
0x36: {  	p1 =	seq.s32 s10, $0x1;
	s10 =	sld [smem:$0x3FA8];
	_ =	sdelay $0x3  }
0x37: {  	[smem:$0x3FA8] =	sst s10  }
0x38: {  	s10 =	sld [smem:$0x3FA9]  }
0x39: {  	_ = 	snop;
	(pc) =	sbr.ind lr, $3  }
0x3a: {  	_ = 	snop  }
0x3b: {  	_ = 	snop  }
0x3c: {  	p2 =	seq.s32 s10, $0x1;
	s10 =	sld [smem:$0x3FA8]  }
0x3d: {  	_ =	shalt  }
0x3e: {  	_ =	shalt  }
0x3f: {  	_ =	shalt  }
0x40: {  	_ =	shalt  }
0x41: {  	_ =	shalt  }
0x42: {  	_ =	shalt  }
0x43: {  	_ =	shalt  }
0x44: {  	_ =	shalt  }
0x45: {  	_ =	shalt  }
0x46: {  	_ =	shalt  }
0x47: {  	_ =	shalt  }
0x48: {  	_ =	shalt  }
0x49: {  	_ =	shalt  }
0x4a: {  	_ =	shalt  }
0x4b: {  	_ =	shalt  }
0x4c: {  	_ =	shalt  }
0x4d: {  	_ =	shalt  }
0x4e: {  	_ =	shalt  }
0x4f: {  	_ =	shalt  }
0x50: {  	_ =	shalt  }
0x51: {  	_ =	shalt  }
0x52: {  	_ =	shalt  }
0x53: {  	_ =	shalt  }
0x54: {  	_ =	shalt  }
0x55: {  	_ =	shalt  }
0x56: {  	_ =	shalt  }
0x57: {  	_ =	shalt  }
0x58: {  	_ =	shalt  }
0x59: {  	_ =	shalt  }
0x5a: {  	_ =	shalt  }
0x5b: {  	_ =	shalt  }
0x5c: {  	_ =	shalt  }
0x5d: {  	_ =	shalt  }
0x5e: {  	_ =	shalt  }
0x5f: {  	_ =	shalt  }
0x60: {  	_ =	shalt  }
0x61: {  	_ =	shalt  }
0x62: {  	_ =	shalt  }
0x63: {  	_ =	shalt  }
0x64: {  	_ =	shalt  }
0x65: {  	_ =	shalt  }
0x66: {  	_ =	shalt  }
0x67: {  	_ =	shalt  }
0x68: {  	_ =	shalt  }
0x69: {  	_ =	shalt  }
0x6a: {  	_ =	shalt  }
0x6b: {  	_ =	shalt  }
0x6c: {  	_ =	shalt  }
0x6d: {  	_ =	shalt  }
0x6e: {  	_ =	shalt  }
0x6f: {  	_ =	shalt  }
0x70: {  	_ =	shalt  }
0x71: {  	_ =	shalt  }
0x72: {  	_ =	shalt  }
0x73: {  	_ =	shalt  }
0x74: {  	_ =	shalt  }
0x75: {  	_ =	shalt  }
0x76: {  	_ =	shalt  }
0x77: {  	_ =	shalt  }
0x78: {  	_ =	shalt  }
0x79: {  	_ =	shalt  }
0x7a: {  	_ =	shalt  }
0x7b: {  	_ =	shalt  }
0x7c: {  	_ =	shalt  }
0x7d: {  	_ =	shalt  }
0x7e: {  	_ =	shalt  }
0x7f: {  	_ =	shalt  }
0x80: {  	_ =	shalt  }
0x81: {  	_ =	shalt  }
0x82: {  	_ =	shalt  }
0x83: {  	_ =	shalt  }
0x84: {  	_ =	shalt  }
0x85: {  	_ =	shalt  }
0x86: {  	_ =	shalt  }
0x87: {  	_ =	shalt  }
.Lfunc_end0:
.L_simem_size_0:
called_computation.1_lowered:
.L_overlay_start_0:
0x88: {  	s2 =	sld [smem:$0x3FD9]  }
0x89: {  	s3 =	sld [smem:$0x3FFE];
	_ =	sdelay $0x1  }
0x8a: {  	s1 =	srdreg.scid  }
0x8b: {  	s0 =	sand.u32 $0x1, s1  }
0x8c: {  	s16 =	sshll.u32 s0, $0xA;
	s2 =	sadd.s32 s3, s2  }
0x8d: {  	s2 =	sadd.s32 s2, s16  }
0x8e: {  	[smem:$0x3FB4] =	sst s2  }
0x8f: {  	_ = 	snop  }
0x90: {  	(tm) =	ssettm $0x1  }
0x91: {  	s17 =	sld [smem:$0x3FFB];
	_ =	sdelay $0x3  }
0x92: {  	_ =	strace s17  }
0x93: {  	s2 =	sld [smem:$0x3FFC];
	_ =	sdelay $0x3  }
0x94: {  	_ =	strace s2  }
0x95: {  	s2 =	sld [smem:$0x3FFD];
	_ =	sdelay $0x3  }
0x96: {  	_ =	strace s2  }
0x97: {  	_ =	strace $0x8FFFFFFF  }
0x98: {  	s18 =	sld [smem:$0x3FDB];
	_ =	sdelay $0x1  }
0x99: {  	s19 =	simm.s32 $_scs_section_size  }
0x9a: {  	s4 =	simm.s32 $_size__tile_overlayer_lowered;
	s5 =	simm.s32 $_tile_overlayer_lowered  }
0x9b: {  	s22 =	simm.s32 $0x1BFF;
	s21 =	sshll.u32 s5, $0x1;
	s2 =	sadd.s32 s19, s18  }
0x9c: {  	s6 =	simm.s32 $0x0;
	s20 =	sshll.u32 s4, $0x1;
	s4 =	sadd.s32 s21, s2  }
0x9d: {  	[timem:s6], [sflag:s22] =	dma.local [hbm:s4], s20  }
0x9e: {  	_ =	swait.ge [sflag:s22], s20  }
0x9f: {  	s3 =	ssub.s32 $0x0, s20;
	[sflag:s22] =	ssyncset.done $0x0  }
0xa0: {  	[sflag:s22] =	ssyncadd.s32 s3;
	_ =	sdelay $0x1  }
0xa1: {  	s23 =	simm.s32 $0x1B8B  }
0xa2: {  	_ =	swait.ge [sflag:s23], $0x1  }
0xa3: {  	[sflag:s23] =	ssyncset.done $0x0  }
0xa4: {  	s25 =	simm.s32 $0x1B8E;
	s24 =	sld [smem:$0x3FFE];
	[sflag:s23] =	ssyncadd.s32 $0xFFFFFFFF  }
0xa5: {  	s26 =	simm.s32 $execute0_lowered;
	[smem:$0x3FD2] =	sst s25  }
0xa6: {  	s4 =	sshll.u32 s26, $0x1;
	_ =	strace $0x80000049;
	[dreg:$0x1] =	wrdreg $0xFFFFFFFF  }
0xa7: {  	s28 =	simm.s32 $_size_execute0_lowered;
	s2 =	sadd.s32 s2, s4;
	[dreg:$0x0] =	wrdreg $0x0  }
0xa8: {  	s4 =	sshll.u32 s28, $0x1;
	[dreg:$0x2] =	wrdreg s2  }
0xa9: {  	[dreg:$0x3] =	wrdreg s4  }
0xaa: {  	[dreg:$0x4] =	wrdreg $0xC0  }
0xab: {  	_ =	task [dreg:s6], $0x5FFFF  }
0xac: {  	[dreg:$0x1] =	wrdreg $0xFFFFFFFF  }
0xad: {  	[dreg:$0x0] =	wrdreg $0x60  }
0xae: {  	[dreg:$0x2] =	wrdreg s24  }
0xaf: {  	[dreg:$0x3] =	wrdreg $0x90000  }
0xb0: {  	[dreg:$0x4] =	wrdreg $0x9  }
0xb1: {  	_ =	task.clear_ibuf [dreg:s6], $0x5FFFF;
	_ =	strace $0x90000049  }
0xb2: {  	s29 =	simm.s32 $0x9;
	_ =	strace $0x8000004B  }
0xb3: {  	_ =	swait.ge [sflag:s29], $0x1  }
0xb4: {  	[sflag:s29] =	ssyncadd.s32 $0xFFFFFFFF  }
0xb5: {  	_ =	strace $0x9000004B  }
0xb6: {  	_ =	sfence  }
0xb7: {  	s30 =	sld [smem:$0x0];
	_ =	sdelay $0x2  }
0xb8: {  	s31 =	sshll.u32 s1, $0xD;
	s1 =	sshrl.u32 s1, $0x2  }
0xb9: {  	s3 =	sand.u32 $0x4000, s31;
	s1 =	sadd.s32 s1, s30  }
0xba: {  	s0 =	sor.u32 s3, s0;
	s1 =	sshll.u32 s1, $0x11  }
0xbb: {  	s0 =	sor.u32 s1, s0  }
0xbc: {  	s0 =	sadd.s32 $0x8F2B, s0  }
0xbd: {  	[sflag:s0] =	ssyncadd.remote.s32 $0x1  }
0xbe: {  	_ =	sfence.sel $0xFFFF  }
0xbf: {  	[dreg:$0x0] =	wrdreg $0xFFFFFFFF;
	(pc) =	sbr.abs _section_cstart, $3  }
0xc0: {  	[dreg:$0x1] =	wrdreg $0xFFFFFFFF  }
0xc1: {  	_ =	task.clear_ibuf [dreg:s6], $0x2FFFF;
	_ =	strace $0x9FFFFFFF  }
0xc2: {  	(tm) =	ssettm $0x7FFFFFFF  }
0xc3: {  	_ =	shalt  }
tec
execute0_lowered:
.L_overlay_start_1:
0x0: {  	(tag) =	ssettag $0x1  }
0x1: {  	s1 =	srdreg.scid;
	s5 =	rddreg [dreg:$0x0]  }
0x2: {  	s0 =	stileid.u32;
	s2 =	rddreg [dreg:$0x1];
	s3 =	simm.s32 $0x0  }
0x3: {  	s14 =	simm.s32 $0x80;
	s15 =	simm.s32 $0x5000;
	s16 =	simm.s32 $0x1  }
0x4: {  	s17 =	simm.s32 $0x0;
	s6 =	sand.u32 $0x1, s1;
	s1 =	rddreg [dreg:$0x2]  }
0x5: {  	s26 =	sshll.u32 s0, $0x1;
	[smem:$0x7FF] =	sst s3;
	s8 =	smul.u32 $0x13C00, s0  }
0x6: {  	s29 =	smul.u32 $0x4F000, s0;
	s31 =	sshll.u32 s0, $0x6;
	s4 =	sor.u32 s6, s26  }
0x7: {  	_ =	strace $0x8000004A;
	s9 =	smul.u32 $0x13C000, s6;
	s6 =	ssub.s32 $0x2, s6  }
0x8: {  	s7 =	smul.u32 $0x500, s4;
	s4 =	sadd.s32 $0x8F600, s5;
	s28 =	sshrl.u32 s8, $0x3  }
0x9: {  	s11 =	sshrl.u32 s6, $0x1;
	s30 =	sshrl.u32 s29, $0x2;
	s8 =	sadd.s32 s8, s9  }
0xa: {  	s11 =	ssub.s32 s6, s11;
	s13 =	sadd.s32 s30, s2;
	s6 =	sor.u32 $0x1C02, s31  }
0xb: {  	s10 =	sadd.s32 s7, s5;
	s7 =	sadd.s32 s28, s5;
	s8 =	sshrl.u32 s8, $0x3  }
0xc: {  	s12 =	sadd.s32 s8, s5;
	s5 =	sadd.s32 $0xE600, s7;
	s7 =	sadd.s32 $0x85600, s10  }
0xd: {  	s8 =	sadd.s32 $0x4600, s10;
	s10 =	smax.u32 s11, $0x1;
	s11 =	sshrl.u32 s13, $0x3  }
0xe: {  	s13 =	simm.s32 $0x2800;
	s9 =	sadd.s32 $0xB6800, s12;
	s12 =	simm.s32 $0x2  }
.LBB2_1:
0xf: {  	[spmem:s11], [sflag:s6] =	dma.local [hbm:s5], $0x2780  }
0x10: {  	_ =	swait.ge [sflag:s12], $0x2780  }
0x11: {  	[sflag:s12] =	ssyncset.done $0x0  }
0x12: {  	[sflag:s12] =	ssyncadd.s32 $0xFFFFD880  }
0x13: {  	[tilespmem:s3], [sflag:$0x2] =	stream.linear.gather [hbm4b:s7+s3], $0x2780, $0x38;
	[tilespmem:$0x1CC00] =	vst v63  }
0x14: {  	_ =	swait.ge [sflag:s12], $0x2780  }
0x15: {  	[sflag:s12] =	ssyncset.done $0x0  }
0x16: {  	[sflag:s12] =	ssyncadd.s32 $0xFFFFD880  }
0x17: {  	[tilespmem:s13], [sflag:$0x2] =	stream.linear.gather [hbm4b:s8+s3], $0x2780, $0x38;
	[tilespmem:$0x1CC00] =	vst v63  }
0x18: {  	_ =	swait.ge [sflag:s12], $0x2780  }
0x19: {  	[sflag:s12] =	ssyncset.done $0x0  }
0x1a: {  	[sflag:s12] =	ssyncadd.s32 $0xFFFFD880  }
0x1b: {  	s18 =	simm.s32 $0x0;
	[bflag:$0x0] =	sbarrier.arrive $0xFFFF  }
0x1c: {  	[tilespmem:s15], [sflag:$0x1] =	stream.indirect.gather [hbm4b:s4+s14], $0x80, s18, s14, $0xb8;
	[tilespmem:$0x1CC00] =	vst v63  }
0x1d: {  	_ =	swait.ge [sflag:s16], $0x4000  }
0x1e: {  	[sflag:s16] =	ssyncset.done $0x0  }
0x1f: {  	s31 =	simm.s32 $0x2800;
	[sflag:s16] =	ssyncadd.s32 $0xFFFFC000  }
0x20: {  	[spmem:s2] =	stream.indirect.scatter.add.f32 [tilespmem:s15], [sflag:$0x2], $0x80, s31, s14, $0xb8;
	[tilespmem:$0x1CC00] =	vst v63  }
0x21: {  	_ =	swait.ge [sflag:s12], $0x4000  }
0x22: {  	s19 =	simm.s32 $0x400;
	s18 =	simm.s32 $0x200;
	[sflag:s12] =	ssyncset.done $0x0  }
.LBB2_2:
0x23: {  	s20 =	sshra.s32 s18, $0x2  }
0x24: {  	[sflag:s12] =	ssyncadd.s32 $0xFFFFC000;
	s18 =	smov.u32 s19;
	s21 =	sadd.s32 $0x200, s19  }
0x25: {  	[tilespmem:s15], [sflag:$0x1] =	stream.indirect.gather [hbm4b:s4+s14], $0x80, s20, s14, $0xb8;
	[tilespmem:$0x1CC00] =	vst v63  }
0x26: {  	p0 =	sne.s32 s19, $0x9C00;
	_ =	swait.ge [sflag:s16], $0x4000  }
.Ltmp0:
0x27: {  	[sflag:s16] =	ssyncset.done $0x0;
	(pc) =	sbr.rel @p0 .LBB2_2-.Ltmp0, $4  }
0x28: {  	s19 =	sadd.s32 $0x2800, s20;
	[sflag:s16] =	ssyncadd.s32 $0xFFFFC000  }
0x29: {  	[spmem:s2] =	stream.indirect.scatter.add.f32 [tilespmem:s15], [sflag:$0x2], $0x80, s19, s14, $0xb8;
	[tilespmem:$0x1CC00] =	vst v63  }
0x2a: {  	_ =	swait.ge [sflag:s12], $0x4000  }
0x2b: {  	s19 =	smov.u32 s21;
	[sflag:s12] =	ssyncset.done $0x0  }
0x2c: {  	s18 =	sshra.s32 s18, $0x2;
	[sflag:s12] =	ssyncadd.s32 $0xFFFFC000  }
0x2d: {  	[tilespmem:s15], [sflag:$0x1] =	stream.indirect.gather [hbm4b:s4+s14], $0x80, s18, s14, $0xb8;
	[tilespmem:$0x1CC00] =	vst v63  }
0x2e: {  	_ =	swait.ge [sflag:s16], $0x4000  }
0x2f: {  	[sflag:s16] =	ssyncset.done $0x0  }
0x30: {  	s18 =	sadd.s32 $0x2800, s18;
	[sflag:s16] =	ssyncadd.s32 $0xFFFFC000  }
0x31: {  	[spmem:s2] =	stream.indirect.scatter.add.f32 [tilespmem:s15], [sflag:$0x2], $0x80, s18, s14, $0xb8;
	[tilespmem:$0x1CC00] =	vst v63  }
0x32: {  	_ =	swait.ge [sflag:s12], $0x4000  }
0x33: {  	s17 =	sadd.s32 $0x1, s17;
	[sflag:s12] =	ssyncset.done $0x0  }
0x34: {  	p0 =	sne.s32 s17, s10;
	[sflag:s12] =	ssyncadd.s32 $0xFFFFC000  }
.Ltmp1:
0x35: {  	[bflag:$0x0] =	sbarrier.arrive $0xFFFF;
	(pc) =	sbr.rel @p0 .LBB2_1-.Ltmp1, $4  }
0x36: {  	[hbm:s9], [sflag:s6] =	dma.local [spmem:s11], $0x2780  }
0x37: {  	_ =	swait.ge [sflag:s12], $0x2780  }
0x38: {  	[sflag:s12] =	ssyncset.done $0x0  }
0x39: {  	[sflag:s12] =	ssyncadd.s32 $0xFFFFD880  }
0x3a: {  	_ =	sfence.sel $0x180000  }
0x3b: {  	[bflag:$0x0] =	sbarrier.arrive $0xFFFF  }
0x3c: {  	p0 =	sne.s32 s0, $0x0;
	_ =	strace $0x9000004A  }
0x3d: {  	s0 =	sadd.s32 @!p0 $0x100000, s1;
	[bflag:$0x2] =	sbarrier.arrive $0xFFFF  }
0x3e: {  	[sflag:s0] =	ssyncadd.tile.s32 @!p0 $0x1;
	_ =	shalt  }
.Lfunc_end2:
_tile_overlayer_lowered:
.L_overlay_start_2:
0x3f: {  	(tag) =	ssettag $0x2  }
0x40: {  	s0 =	rddreg [dreg:$0x0];
	s2 =	stileid.u32  }
0x41: {  	s1 =	rddreg [dreg:$0x1];
	p0 =	sne.s32 s2, $0x0  }
0x42: {  	s3 =	rddreg [dreg:$0x2];
	[bflag:$0x3] =	sbarrier.arrive $0xFFFF;
	s2 =	simm.s32 @!p0 $0x1C02  }
0x43: {  	[timem:s3], [sflag:s2] =	dma.local @!p0 [hbm:s0], s1  }
0x44: {  	s0 =	simm.s32 @!p0 $0x2  }
0x45: {  	_ =	swait.ge @!p0 [sflag:s0], s1  }
0x46: {  	s1 =	ssub.s32 @!p0 $0x0, s1;
	[sflag:s0] =	ssyncset.done @!p0 $0x0  }
0x47: {  	[sflag:s0] =	ssyncadd.s32 @!p0 s1  }
0x48: {  	[bflag:$0x3] =	sbarrier.arrive $0xFFFF  }
0x49: {  	_ =	shalt  }

// kernel: kernel.17.cloned.1.call-start
scs
__scs_entry_jumppad:
0x0: {  	(pc) =	sbr.rel $0x88, $3  }
0x1: {  	(tag) =	ssettag $0x0;
	lr =	simm.s32 $0x1  }
0x2: {  	[smem:$0x3F8D] =	sst lr;
	_ =	strace $0xD0000000  }
0x3: {  	_ = 	snop  }
0x4: {  	_ = 	snop  }
0x5: {  	_ = 	snop  }
0x6: {  	_ = 	snop  }
0x7: {  	_ = 	snop  }
__scs_overlays_trampoline_lowered:
0x8: {  	[smem:$0x3F9C] =	sst s0  }
0x9: {  	[smem:$0x3F9D] =	sst s1  }
0xa: {  	[smem:$0x3F9E] =	sst s2  }
0xb: {  	[smem:$0x3F9F] =	sst s3  }
0xc: {  	[smem:$0x3FA0] =	sst s4  }
0xd: {  	[smem:$0x3FA1] =	sst s5  }
0xe: {  	[smem:$0x3FA2] =	sst s6  }
0xf: {  	[smem:$0x3FA3] =	sst s7  }
0x10: {  	[smem:$0x3FA4] =	sst s8  }
0x11: {  	[smem:$0x3FA5] =	sst s9;
	s0 =	simm.s32 @!p0 $0x0  }
0x12: {  	s1 =	sld [smem:$0x3F8B];
	s0 =	simm.s32 @p0 $0x1  }
0x13: {  	[smem:$0x3FA6] =	sst s0;
	s0 =	simm.s32 @!p1 $0x0  }
0x14: {  	s2 =	sld [smem:$0x3F8A];
	s0 =	simm.s32 @p1 $0x1  }
0x15: {  	[smem:$0x3FA7] =	sst s0;
	s0 =	simm.s32 @!p2 $0x0  }
0x16: {  	s3 =	sld [smem:$0x3FDB];
	s0 =	simm.s32 @p2 $0x1  }
0x17: {  	s4 =	simm.s32 $0x1BF5;
	[smem:$0x3FA9] =	sst s0  }
0x18: {  	s0 =	sld [smem:$0x3F8C];
	_ =	swait.ge [sflag:s4], $0x0  }
0x19: {  	s7 =	sld [smem:$0x3F8D]  }
0x1a: {  	s8 =	sadd.s32 $0xFFFFE003, lr  }
0x1b: {  	s9 =	sadd.s32 $0xFFFFFEF7, lr;
	s5 =	simm.s32 $0xFFFFFFFF;
	p2 =	slt.u32 s8, $0xFFFFF086  }
0x1c: {  	p1 =	slt.u32 s9, $0xF7A;
	s5 =	simm.s32 @!p2 $0x0  }
0x1d: {  	s5 =	simm.s32 @p1 $0x1;
	p0 =	seq.s32 s7, s2  }
0x1e: {  	s7 =	smul.u32 @!p0 $0xF7A, s2;
	p2 =	seq.s32 @!p0 s5, $0x0  }
0x1f: {  	s9 =	smul.u32 $0xF7A, s1;
	s8 =	simm.s32 @!p0 $0x1BF5;
	p2 =	por !p2, p0  }
0x20: {  	[sflag:s8] =	ssyncset.s32 @!p0 $0xFFFFF086;
	s6 =	sadd.s32 @!p0 s3, s7;
	s7 =	simm.s32 @!p0 $0x108  }
0x21: {  	s3 =	sadd.s32 s3, s9;
	s6 =	sadd.s32 @!p0 $0x88, s6;
	s7 =	simm.s32 @p2 $0x1082  }
0x22: {  	[simem:s7], [sflag:s8] =	dma.local @!p0 [hbm:s6], $0xF7A  }
0x23: {  	s9 =	sor.u32 $0xD0000000, s2;
	s6 =	simm.s32 $0x108;
	_ =	swait.ge @!p0 [sflag:s8], $0x0  }
0x24: {  	s3 =	sadd.s32 $0x88, s3;
	s6 =	simm.s32 @!p1 $0x1082;
	[sflag:s4] =	ssyncset.s32 $0xFFFFF086  }
0x25: {  	[simem:s6], [sflag:s4] =	dma.local [hbm:s3], $0xF7A  }
0x26: {  	[smem:$0x3F8D] =	sst s1;
	(tag) =	ssettag s2;
	_ =	strace s9  }
0x27: {  	s1 =	sld [smem:$0x3F9D]  }
0x28: {  	s2 =	sld [smem:$0x3F9E]  }
0x29: {  	s4 =	sld [smem:$0x3FA0]  }
0x2a: {  	p0 =	seq.s32 s5, $0x0;
	s5 =	sld [smem:$0x3FA1]  }
0x2b: {  	s6 =	sld [smem:$0x3FA2]  }
0x2c: {  	s7 =	sld [smem:$0x3FA3]  }
0x2d: {  	s3 =	simm.s32 $0x108;
	s8 =	sld [smem:$0x3FA4]  }
0x2e: {  	s3 =	simm.s32 @!p0 $0x1082;
	s9 =	sld [smem:$0x3FA5]  }
0x2f: {  	lr =	sadd.s32 s0, s3;
	s0 =	sld [smem:$0x3F9C]  }
0x30: {  	s3 =	sld [smem:$0x3F9F]  }
0x31: {  	[smem:$0x3FA8] =	sst s10  }
0x32: {  	s10 =	sld [smem:$0x3FA6];
	_ =	sdelay $0x3  }
0x33: {  	p0 =	seq.s32 s10, $0x1;
	s10 =	sld [smem:$0x3FA8];
	_ =	sdelay $0x3  }
0x34: {  	[smem:$0x3FA8] =	sst s10  }
0x35: {  	s10 =	sld [smem:$0x3FA7];
	_ =	sdelay $0x3  }
0x36: {  	p1 =	seq.s32 s10, $0x1;
	s10 =	sld [smem:$0x3FA8];
	_ =	sdelay $0x3  }
0x37: {  	[smem:$0x3FA8] =	sst s10  }
0x38: {  	s10 =	sld [smem:$0x3FA9]  }
0x39: {  	_ = 	snop;
	(pc) =	sbr.ind lr, $3  }
0x3a: {  	_ = 	snop  }
0x3b: {  	_ = 	snop  }
0x3c: {  	p2 =	seq.s32 s10, $0x1;
	s10 =	sld [smem:$0x3FA8]  }
0x3d: {  	_ =	shalt  }
0x3e: {  	_ =	shalt  }
0x3f: {  	_ =	shalt  }
0x40: {  	_ =	shalt  }
0x41: {  	_ =	shalt  }
0x42: {  	_ =	shalt  }
0x43: {  	_ =	shalt  }
0x44: {  	_ =	shalt  }
0x45: {  	_ =	shalt  }
0x46: {  	_ =	shalt  }
0x47: {  	_ =	shalt  }
0x48: {  	_ =	shalt  }
0x49: {  	_ =	shalt  }
0x4a: {  	_ =	shalt  }
0x4b: {  	_ =	shalt  }
0x4c: {  	_ =	shalt  }
0x4d: {  	_ =	shalt  }
0x4e: {  	_ =	shalt  }
0x4f: {  	_ =	shalt  }
0x50: {  	_ =	shalt  }
0x51: {  	_ =	shalt  }
0x52: {  	_ =	shalt  }
0x53: {  	_ =	shalt  }
0x54: {  	_ =	shalt  }
0x55: {  	_ =	shalt  }
0x56: {  	_ =	shalt  }
0x57: {  	_ =	shalt  }
0x58: {  	_ =	shalt  }
0x59: {  	_ =	shalt  }
0x5a: {  	_ =	shalt  }
0x5b: {  	_ =	shalt  }
0x5c: {  	_ =	shalt  }
0x5d: {  	_ =	shalt  }
0x5e: {  	_ =	shalt  }
0x5f: {  	_ =	shalt  }
0x60: {  	_ =	shalt  }
0x61: {  	_ =	shalt  }
0x62: {  	_ =	shalt  }
0x63: {  	_ =	shalt  }
0x64: {  	_ =	shalt  }
0x65: {  	_ =	shalt  }
0x66: {  	_ =	shalt  }
0x67: {  	_ =	shalt  }
0x68: {  	_ =	shalt  }
0x69: {  	_ =	shalt  }
0x6a: {  	_ =	shalt  }
0x6b: {  	_ =	shalt  }
0x6c: {  	_ =	shalt  }
0x6d: {  	_ =	shalt  }
0x6e: {  	_ =	shalt  }
0x6f: {  	_ =	shalt  }
0x70: {  	_ =	shalt  }
0x71: {  	_ =	shalt  }
0x72: {  	_ =	shalt  }
0x73: {  	_ =	shalt  }
0x74: {  	_ =	shalt  }
0x75: {  	_ =	shalt  }
0x76: {  	_ =	shalt  }
0x77: {  	_ =	shalt  }
0x78: {  	_ =	shalt  }
0x79: {  	_ =	shalt  }
0x7a: {  	_ =	shalt  }
0x7b: {  	_ =	shalt  }
0x7c: {  	_ =	shalt  }
0x7d: {  	_ =	shalt  }
0x7e: {  	_ =	shalt  }
0x7f: {  	_ =	shalt  }
0x80: {  	_ =	shalt  }
0x81: {  	_ =	shalt  }
0x82: {  	_ =	shalt  }
0x83: {  	_ =	shalt  }
0x84: {  	_ =	shalt  }
0x85: {  	_ =	shalt  }
0x86: {  	_ =	shalt  }
0x87: {  	_ =	shalt  }
.Lfunc_end0:
.L_simem_size_0:
called_computation.2_lowered:
.L_overlay_start_0:
0x88: {  	s2 =	sld [smem:$0x3FD9]  }
0x89: {  	s3 =	sld [smem:$0x3FFE];
	_ =	sdelay $0x1  }
0x8a: {  	s1 =	srdreg.scid  }
0x8b: {  	s0 =	sand.u32 $0x1, s1  }
0x8c: {  	s16 =	sshll.u32 s0, $0xA;
	s2 =	sadd.s32 s3, s2  }
0x8d: {  	s2 =	sadd.s32 s2, s16  }
0x8e: {  	[smem:$0x3FB4] =	sst s2  }
0x8f: {  	_ = 	snop  }
0x90: {  	(tm) =	ssettm $0x1  }
0x91: {  	s17 =	sld [smem:$0x3FFB];
	_ =	sdelay $0x3  }
0x92: {  	_ =	strace s17  }
0x93: {  	s2 =	sld [smem:$0x3FFC];
	_ =	sdelay $0x3  }
0x94: {  	_ =	strace s2  }
0x95: {  	s2 =	sld [smem:$0x3FFD];
	_ =	sdelay $0x3  }
0x96: {  	_ =	strace s2  }
0x97: {  	_ =	strace $0x8FFFFFFF  }
0x98: {  	s18 =	sld [smem:$0x3FDB];
	_ =	sdelay $0x1  }
0x99: {  	s19 =	simm.s32 $_scs_section_size  }
0x9a: {  	s4 =	simm.s32 $_size__tile_overlayer_lowered;
	s5 =	simm.s32 $_tile_overlayer_lowered  }
0x9b: {  	s22 =	simm.s32 $0x1BFF;
	s21 =	sshll.u32 s5, $0x1;
	s2 =	sadd.s32 s19, s18  }
0x9c: {  	s6 =	simm.s32 $0x0;
	s20 =	sshll.u32 s4, $0x1;
	s4 =	sadd.s32 s21, s2  }
0x9d: {  	[timem:s6], [sflag:s22] =	dma.local [hbm:s4], s20  }
0x9e: {  	_ =	swait.ge [sflag:s22], s20  }
0x9f: {  	s3 =	ssub.s32 $0x0, s20;
	[sflag:s22] =	ssyncset.done $0x0  }
0xa0: {  	[sflag:s22] =	ssyncadd.s32 s3;
	_ =	sdelay $0x1  }
0xa1: {  	s23 =	simm.s32 $0x1B8B  }
0xa2: {  	_ =	swait.ge [sflag:s23], $0x1  }
0xa3: {  	[sflag:s23] =	ssyncset.done $0x0  }
0xa4: {  	s25 =	simm.s32 $0x1B8E;
	s24 =	sld [smem:$0x3FFE];
	[sflag:s23] =	ssyncadd.s32 $0xFFFFFFFF  }
0xa5: {  	s26 =	simm.s32 $execute0_lowered;
	[smem:$0x3FD2] =	sst s25  }
0xa6: {  	s4 =	sshll.u32 s26, $0x1;
	_ =	strace $0x8000004C;
	[dreg:$0x1] =	wrdreg $0xFFFFFFFF  }
0xa7: {  	s28 =	simm.s32 $_size_execute0_lowered;
	s2 =	sadd.s32 s2, s4;
	[dreg:$0x0] =	wrdreg $0x0  }
0xa8: {  	s4 =	sshll.u32 s28, $0x1;
	[dreg:$0x2] =	wrdreg s2  }
0xa9: {  	[dreg:$0x3] =	wrdreg s4  }
0xaa: {  	[dreg:$0x4] =	wrdreg $0xC0  }
0xab: {  	_ =	task [dreg:s6], $0x5FFFF  }
0xac: {  	[dreg:$0x1] =	wrdreg $0xFFFFFFFF  }
0xad: {  	[dreg:$0x0] =	wrdreg $0x60  }
0xae: {  	[dreg:$0x2] =	wrdreg s24  }
0xaf: {  	[dreg:$0x3] =	wrdreg $0x90000  }
0xb0: {  	[dreg:$0x4] =	wrdreg $0x9  }
0xb1: {  	_ =	task.clear_ibuf [dreg:s6], $0x5FFFF;
	_ =	strace $0x9000004C  }
0xb2: {  	s29 =	simm.s32 $0x9;
	_ =	strace $0x8000004E  }
0xb3: {  	_ =	swait.ge [sflag:s29], $0x1  }
0xb4: {  	[sflag:s29] =	ssyncadd.s32 $0xFFFFFFFF  }
0xb5: {  	_ =	strace $0x9000004E  }
0xb6: {  	_ =	sfence  }
0xb7: {  	s30 =	sld [smem:$0x0];
	_ =	sdelay $0x2  }
0xb8: {  	s31 =	sshll.u32 s1, $0xD;
	s1 =	sshrl.u32 s1, $0x2  }
0xb9: {  	s3 =	sand.u32 $0x4000, s31;
	s1 =	sadd.s32 s1, s30  }
0xba: {  	s0 =	sor.u32 s3, s0;
	s1 =	sshll.u32 s1, $0x11  }
0xbb: {  	s0 =	sor.u32 s1, s0  }
0xbc: {  	s0 =	sadd.s32 $0x8F2B, s0  }
0xbd: {  	[sflag:s0] =	ssyncadd.remote.s32 $0x1  }
0xbe: {  	_ =	sfence.sel $0xFFFF  }
0xbf: {  	[dreg:$0x0] =	wrdreg $0xFFFFFFFF;
	(pc) =	sbr.abs _section_cstart, $3  }
0xc0: {  	[dreg:$0x1] =	wrdreg $0xFFFFFFFF  }
0xc1: {  	_ =	task.clear_ibuf [dreg:s6], $0x2FFFF;
	_ =	strace $0x9FFFFFFF  }
0xc2: {  	(tm) =	ssettm $0x7FFFFFFF  }
0xc3: {  	_ =	shalt  }
tec
execute0_lowered:
.L_overlay_start_1:
0x0: {  	(tag) =	ssettag $0x1  }
0x1: {  	s1 =	srdreg.scid;
	s5 =	rddreg [dreg:$0x0]  }
0x2: {  	s0 =	stileid.u32;
	s2 =	rddreg [dreg:$0x1];
	s3 =	simm.s32 $0x0  }
0x3: {  	s14 =	simm.s32 $0x80;
	s15 =	simm.s32 $0x5000;
	s16 =	simm.s32 $0x1  }
0x4: {  	s17 =	simm.s32 $0x0;
	s6 =	sand.u32 $0x1, s1;
	s1 =	rddreg [dreg:$0x2]  }
0x5: {  	s26 =	sshll.u32 s0, $0x1;
	[smem:$0x7FF] =	sst s3;
	s8 =	smul.u32 $0x13C00, s0  }
0x6: {  	s29 =	smul.u32 $0x4F000, s0;
	s31 =	sshll.u32 s0, $0x6;
	s4 =	sor.u32 s6, s26  }
0x7: {  	_ =	strace $0x8000004D;
	s9 =	smul.u32 $0x13C000, s6;
	s6 =	ssub.s32 $0x2, s6  }
0x8: {  	s7 =	smul.u32 $0x500, s4;
	s4 =	sadd.s32 $0x8F600, s5;
	s28 =	sshrl.u32 s8, $0x3  }
0x9: {  	s11 =	sshrl.u32 s6, $0x1;
	s30 =	sshrl.u32 s29, $0x2;
	s8 =	sadd.s32 s8, s9  }
0xa: {  	s11 =	ssub.s32 s6, s11;
	s13 =	sadd.s32 s30, s2;
	s6 =	sor.u32 $0x1C02, s31  }
0xb: {  	s10 =	sadd.s32 s7, s5;
	s7 =	sadd.s32 s28, s5;
	s8 =	sshrl.u32 s8, $0x3  }
0xc: {  	s12 =	sadd.s32 s8, s5;
	s5 =	sadd.s32 $0xE600, s7;
	s7 =	sadd.s32 $0x85600, s10  }
0xd: {  	s8 =	sadd.s32 $0x4600, s10;
	s10 =	smax.u32 s11, $0x1;
	s11 =	sshrl.u32 s13, $0x3  }
0xe: {  	s13 =	simm.s32 $0x2800;
	s9 =	sadd.s32 $0xB6800, s12;
	s12 =	simm.s32 $0x2  }
.LBB2_1:
0xf: {  	[spmem:s11], [sflag:s6] =	dma.local [hbm:s5], $0x2780  }
0x10: {  	_ =	swait.ge [sflag:s12], $0x2780  }
0x11: {  	[sflag:s12] =	ssyncset.done $0x0  }
0x12: {  	[sflag:s12] =	ssyncadd.s32 $0xFFFFD880  }
0x13: {  	[tilespmem:s3], [sflag:$0x2] =	stream.linear.gather [hbm4b:s7+s3], $0x2780, $0x38;
	[tilespmem:$0x1CC00] =	vst v63  }
0x14: {  	_ =	swait.ge [sflag:s12], $0x2780  }
0x15: {  	[sflag:s12] =	ssyncset.done $0x0  }
0x16: {  	[sflag:s12] =	ssyncadd.s32 $0xFFFFD880  }
0x17: {  	[tilespmem:s13], [sflag:$0x2] =	stream.linear.gather [hbm4b:s8+s3], $0x2780, $0x38;
	[tilespmem:$0x1CC00] =	vst v63  }
0x18: {  	_ =	swait.ge [sflag:s12], $0x2780  }
0x19: {  	[sflag:s12] =	ssyncset.done $0x0  }
0x1a: {  	[sflag:s12] =	ssyncadd.s32 $0xFFFFD880  }
0x1b: {  	s18 =	simm.s32 $0x0;
	[bflag:$0x0] =	sbarrier.arrive $0xFFFF  }
0x1c: {  	[tilespmem:s15], [sflag:$0x1] =	stream.indirect.gather [hbm4b:s4+s14], $0x80, s18, s14, $0xb8;
	[tilespmem:$0x1CC00] =	vst v63  }
0x1d: {  	_ =	swait.ge [sflag:s16], $0x4000  }
0x1e: {  	[sflag:s16] =	ssyncset.done $0x0  }
0x1f: {  	s31 =	simm.s32 $0x2800;
	[sflag:s16] =	ssyncadd.s32 $0xFFFFC000  }
0x20: {  	[spmem:s2] =	stream.indirect.scatter.add.f32 [tilespmem:s15], [sflag:$0x2], $0x80, s31, s14, $0xb8;
	[tilespmem:$0x1CC00] =	vst v63  }
0x21: {  	_ =	swait.ge [sflag:s12], $0x4000  }
0x22: {  	s19 =	simm.s32 $0x400;
	s18 =	simm.s32 $0x200;
	[sflag:s12] =	ssyncset.done $0x0  }
.LBB2_2:
0x23: {  	s20 =	sshra.s32 s18, $0x2  }
0x24: {  	[sflag:s12] =	ssyncadd.s32 $0xFFFFC000;
	s18 =	smov.u32 s19;
	s21 =	sadd.s32 $0x200, s19  }
0x25: {  	[tilespmem:s15], [sflag:$0x1] =	stream.indirect.gather [hbm4b:s4+s14], $0x80, s20, s14, $0xb8;
	[tilespmem:$0x1CC00] =	vst v63  }
0x26: {  	p0 =	sne.s32 s19, $0x9C00;
	_ =	swait.ge [sflag:s16], $0x4000  }
.Ltmp0:
0x27: {  	[sflag:s16] =	ssyncset.done $0x0;
	(pc) =	sbr.rel @p0 .LBB2_2-.Ltmp0, $4  }
0x28: {  	s19 =	sadd.s32 $0x2800, s20;
	[sflag:s16] =	ssyncadd.s32 $0xFFFFC000  }
0x29: {  	[spmem:s2] =	stream.indirect.scatter.add.f32 [tilespmem:s15], [sflag:$0x2], $0x80, s19, s14, $0xb8;
	[tilespmem:$0x1CC00] =	vst v63  }
0x2a: {  	_ =	swait.ge [sflag:s12], $0x4000  }
0x2b: {  	s19 =	smov.u32 s21;
	[sflag:s12] =	ssyncset.done $0x0  }
0x2c: {  	s18 =	sshra.s32 s18, $0x2;
	[sflag:s12] =	ssyncadd.s32 $0xFFFFC000  }
0x2d: {  	[tilespmem:s15], [sflag:$0x1] =	stream.indirect.gather [hbm4b:s4+s14], $0x80, s18, s14, $0xb8;
	[tilespmem:$0x1CC00] =	vst v63  }
0x2e: {  	_ =	swait.ge [sflag:s16], $0x4000  }
0x2f: {  	[sflag:s16] =	ssyncset.done $0x0  }
0x30: {  	s18 =	sadd.s32 $0x2800, s18;
	[sflag:s16] =	ssyncadd.s32 $0xFFFFC000  }
0x31: {  	[spmem:s2] =	stream.indirect.scatter.add.f32 [tilespmem:s15], [sflag:$0x2], $0x80, s18, s14, $0xb8;
	[tilespmem:$0x1CC00] =	vst v63  }
0x32: {  	_ =	swait.ge [sflag:s12], $0x4000  }
0x33: {  	s17 =	sadd.s32 $0x1, s17;
	[sflag:s12] =	ssyncset.done $0x0  }
0x34: {  	p0 =	sne.s32 s17, s10;
	[sflag:s12] =	ssyncadd.s32 $0xFFFFC000  }
.Ltmp1:
0x35: {  	[bflag:$0x0] =	sbarrier.arrive $0xFFFF;
	(pc) =	sbr.rel @p0 .LBB2_1-.Ltmp1, $4  }
0x36: {  	[hbm:s9], [sflag:s6] =	dma.local [spmem:s11], $0x2780  }
0x37: {  	_ =	swait.ge [sflag:s12], $0x2780  }
0x38: {  	[sflag:s12] =	ssyncset.done $0x0  }
0x39: {  	[sflag:s12] =	ssyncadd.s32 $0xFFFFD880  }
0x3a: {  	_ =	sfence.sel $0x180000  }
0x3b: {  	[bflag:$0x0] =	sbarrier.arrive $0xFFFF  }
0x3c: {  	p0 =	sne.s32 s0, $0x0;
	_ =	strace $0x9000004D  }
0x3d: {  	s0 =	sadd.s32 @!p0 $0x100000, s1;
	[bflag:$0x2] =	sbarrier.arrive $0xFFFF  }
0x3e: {  	[sflag:s0] =	ssyncadd.tile.s32 @!p0 $0x1;
	_ =	shalt  }
.Lfunc_end2:
_tile_overlayer_lowered:
.L_overlay_start_2:
0x3f: {  	(tag) =	ssettag $0x2  }
0x40: {  	s0 =	rddreg [dreg:$0x0];
	s2 =	stileid.u32  }
0x41: {  	s1 =	rddreg [dreg:$0x1];
	p0 =	sne.s32 s2, $0x0  }
0x42: {  	s3 =	rddreg [dreg:$0x2];
	[bflag:$0x3] =	sbarrier.arrive $0xFFFF;
	s2 =	simm.s32 @!p0 $0x1C02  }
0x43: {  	[timem:s3], [sflag:s2] =	dma.local @!p0 [hbm:s0], s1  }
0x44: {  	s0 =	simm.s32 @!p0 $0x2  }
0x45: {  	_ =	swait.ge @!p0 [sflag:s0], s1  }
0x46: {  	s1 =	ssub.s32 @!p0 $0x0, s1;
	[sflag:s0] =	ssyncset.done @!p0 $0x0  }
0x47: {  	[sflag:s0] =	ssyncadd.s32 @!p0 s1  }
0x48: {  	[bflag:$0x3] =	sbarrier.arrive $0xFFFF  }
0x49: {  	_ =	shalt  }

// kernel: kernel.20.cloned.1.call-start
scs
__scs_entry_jumppad:
0x0: {  	(pc) =	sbr.rel $0x88, $3  }
0x1: {  	(tag) =	ssettag $0x0;
	lr =	simm.s32 $0x1  }
0x2: {  	[smem:$0x3F8D] =	sst lr;
	_ =	strace $0xD0000000  }
0x3: {  	_ = 	snop  }
0x4: {  	_ = 	snop  }
0x5: {  	_ = 	snop  }
0x6: {  	_ = 	snop  }
0x7: {  	_ = 	snop  }
__scs_overlays_trampoline_lowered:
0x8: {  	[smem:$0x3F9C] =	sst s0  }
0x9: {  	[smem:$0x3F9D] =	sst s1  }
0xa: {  	[smem:$0x3F9E] =	sst s2  }
0xb: {  	[smem:$0x3F9F] =	sst s3  }
0xc: {  	[smem:$0x3FA0] =	sst s4  }
0xd: {  	[smem:$0x3FA1] =	sst s5  }
0xe: {  	[smem:$0x3FA2] =	sst s6  }
0xf: {  	[smem:$0x3FA3] =	sst s7  }
0x10: {  	[smem:$0x3FA4] =	sst s8  }
0x11: {  	[smem:$0x3FA5] =	sst s9;
	s0 =	simm.s32 @!p0 $0x0  }
0x12: {  	s1 =	sld [smem:$0x3F8B];
	s0 =	simm.s32 @p0 $0x1  }
0x13: {  	[smem:$0x3FA6] =	sst s0;
	s0 =	simm.s32 @!p1 $0x0  }
0x14: {  	s2 =	sld [smem:$0x3F8A];
	s0 =	simm.s32 @p1 $0x1  }
0x15: {  	[smem:$0x3FA7] =	sst s0;
	s0 =	simm.s32 @!p2 $0x0  }
0x16: {  	s3 =	sld [smem:$0x3FDB];
	s0 =	simm.s32 @p2 $0x1  }
0x17: {  	s4 =	simm.s32 $0x1BF5;
	[smem:$0x3FA9] =	sst s0  }
0x18: {  	s0 =	sld [smem:$0x3F8C];
	_ =	swait.ge [sflag:s4], $0x0  }
0x19: {  	s7 =	sld [smem:$0x3F8D]  }
0x1a: {  	s8 =	sadd.s32 $0xFFFFE003, lr  }
0x1b: {  	s9 =	sadd.s32 $0xFFFFFEF7, lr;
	s5 =	simm.s32 $0xFFFFFFFF;
	p2 =	slt.u32 s8, $0xFFFFF086  }
0x1c: {  	p1 =	slt.u32 s9, $0xF7A;
	s5 =	simm.s32 @!p2 $0x0  }
0x1d: {  	s5 =	simm.s32 @p1 $0x1;
	p0 =	seq.s32 s7, s2  }
0x1e: {  	s7 =	smul.u32 @!p0 $0xF7A, s2;
	p2 =	seq.s32 @!p0 s5, $0x0  }
0x1f: {  	s9 =	smul.u32 $0xF7A, s1;
	s8 =	simm.s32 @!p0 $0x1BF5;
	p2 =	por !p2, p0  }
0x20: {  	[sflag:s8] =	ssyncset.s32 @!p0 $0xFFFFF086;
	s6 =	sadd.s32 @!p0 s3, s7;
	s7 =	simm.s32 @!p0 $0x108  }
0x21: {  	s3 =	sadd.s32 s3, s9;
	s6 =	sadd.s32 @!p0 $0x88, s6;
	s7 =	simm.s32 @p2 $0x1082  }
0x22: {  	[simem:s7], [sflag:s8] =	dma.local @!p0 [hbm:s6], $0xF7A  }
0x23: {  	s9 =	sor.u32 $0xD0000000, s2;
	s6 =	simm.s32 $0x108;
	_ =	swait.ge @!p0 [sflag:s8], $0x0  }
0x24: {  	s3 =	sadd.s32 $0x88, s3;
	s6 =	simm.s32 @!p1 $0x1082;
	[sflag:s4] =	ssyncset.s32 $0xFFFFF086  }
0x25: {  	[simem:s6], [sflag:s4] =	dma.local [hbm:s3], $0xF7A  }
0x26: {  	[smem:$0x3F8D] =	sst s1;
	(tag) =	ssettag s2;
	_ =	strace s9  }
0x27: {  	s1 =	sld [smem:$0x3F9D]  }
0x28: {  	s2 =	sld [smem:$0x3F9E]  }
0x29: {  	s4 =	sld [smem:$0x3FA0]  }
0x2a: {  	p0 =	seq.s32 s5, $0x0;
	s5 =	sld [smem:$0x3FA1]  }
0x2b: {  	s6 =	sld [smem:$0x3FA2]  }
0x2c: {  	s7 =	sld [smem:$0x3FA3]  }
0x2d: {  	s3 =	simm.s32 $0x108;
	s8 =	sld [smem:$0x3FA4]  }
0x2e: {  	s3 =	simm.s32 @!p0 $0x1082;
	s9 =	sld [smem:$0x3FA5]  }
0x2f: {  	lr =	sadd.s32 s0, s3;
	s0 =	sld [smem:$0x3F9C]  }
0x30: {  	s3 =	sld [smem:$0x3F9F]  }
0x31: {  	[smem:$0x3FA8] =	sst s10  }
0x32: {  	s10 =	sld [smem:$0x3FA6];
	_ =	sdelay $0x3  }
0x33: {  	p0 =	seq.s32 s10, $0x1;
	s10 =	sld [smem:$0x3FA8];
	_ =	sdelay $0x3  }
0x34: {  	[smem:$0x3FA8] =	sst s10  }
0x35: {  	s10 =	sld [smem:$0x3FA7];
	_ =	sdelay $0x3  }
0x36: {  	p1 =	seq.s32 s10, $0x1;
	s10 =	sld [smem:$0x3FA8];
	_ =	sdelay $0x3  }
0x37: {  	[smem:$0x3FA8] =	sst s10  }
0x38: {  	s10 =	sld [smem:$0x3FA9]  }
0x39: {  	_ = 	snop;
	(pc) =	sbr.ind lr, $3  }
0x3a: {  	_ = 	snop  }
0x3b: {  	_ = 	snop  }
0x3c: {  	p2 =	seq.s32 s10, $0x1;
	s10 =	sld [smem:$0x3FA8]  }
0x3d: {  	_ =	shalt  }
0x3e: {  	_ =	shalt  }
0x3f: {  	_ =	shalt  }
0x40: {  	_ =	shalt  }
0x41: {  	_ =	shalt  }
0x42: {  	_ =	shalt  }
0x43: {  	_ =	shalt  }
0x44: {  	_ =	shalt  }
0x45: {  	_ =	shalt  }
0x46: {  	_ =	shalt  }
0x47: {  	_ =	shalt  }
0x48: {  	_ =	shalt  }
0x49: {  	_ =	shalt  }
0x4a: {  	_ =	shalt  }
0x4b: {  	_ =	shalt  }
0x4c: {  	_ =	shalt  }
0x4d: {  	_ =	shalt  }
0x4e: {  	_ =	shalt  }
0x4f: {  	_ =	shalt  }
0x50: {  	_ =	shalt  }
0x51: {  	_ =	shalt  }
0x52: {  	_ =	shalt  }
0x53: {  	_ =	shalt  }
0x54: {  	_ =	shalt  }
0x55: {  	_ =	shalt  }
0x56: {  	_ =	shalt  }
0x57: {  	_ =	shalt  }
0x58: {  	_ =	shalt  }
0x59: {  	_ =	shalt  }
0x5a: {  	_ =	shalt  }
0x5b: {  	_ =	shalt  }
0x5c: {  	_ =	shalt  }
0x5d: {  	_ =	shalt  }
0x5e: {  	_ =	shalt  }
0x5f: {  	_ =	shalt  }
0x60: {  	_ =	shalt  }
0x61: {  	_ =	shalt  }
0x62: {  	_ =	shalt  }
0x63: {  	_ =	shalt  }
0x64: {  	_ =	shalt  }
0x65: {  	_ =	shalt  }
0x66: {  	_ =	shalt  }
0x67: {  	_ =	shalt  }
0x68: {  	_ =	shalt  }
0x69: {  	_ =	shalt  }
0x6a: {  	_ =	shalt  }
0x6b: {  	_ =	shalt  }
0x6c: {  	_ =	shalt  }
0x6d: {  	_ =	shalt  }
0x6e: {  	_ =	shalt  }
0x6f: {  	_ =	shalt  }
0x70: {  	_ =	shalt  }
0x71: {  	_ =	shalt  }
0x72: {  	_ =	shalt  }
0x73: {  	_ =	shalt  }
0x74: {  	_ =	shalt  }
0x75: {  	_ =	shalt  }
0x76: {  	_ =	shalt  }
0x77: {  	_ =	shalt  }
0x78: {  	_ =	shalt  }
0x79: {  	_ =	shalt  }
0x7a: {  	_ =	shalt  }
0x7b: {  	_ =	shalt  }
0x7c: {  	_ =	shalt  }
0x7d: {  	_ =	shalt  }
0x7e: {  	_ =	shalt  }
0x7f: {  	_ =	shalt  }
0x80: {  	_ =	shalt  }
0x81: {  	_ =	shalt  }
0x82: {  	_ =	shalt  }
0x83: {  	_ =	shalt  }
0x84: {  	_ =	shalt  }
0x85: {  	_ =	shalt  }
0x86: {  	_ =	shalt  }
0x87: {  	_ =	shalt  }
.Lfunc_end0:
.L_simem_size_0:
called_computation.3_lowered:
.L_overlay_start_0:
0x88: {  	s2 =	sld [smem:$0x3FD9]  }
0x89: {  	s3 =	sld [smem:$0x3FFE];
	_ =	sdelay $0x1  }
0x8a: {  	s1 =	srdreg.scid  }
0x8b: {  	s0 =	sand.u32 $0x1, s1  }
0x8c: {  	s16 =	sshll.u32 s0, $0xA;
	s2 =	sadd.s32 s3, s2  }
0x8d: {  	s2 =	sadd.s32 s2, s16  }
0x8e: {  	[smem:$0x3FB4] =	sst s2  }
0x8f: {  	_ = 	snop  }
0x90: {  	(tm) =	ssettm $0x1  }
0x91: {  	s17 =	sld [smem:$0x3FFB];
	_ =	sdelay $0x3  }
0x92: {  	_ =	strace s17  }
0x93: {  	s2 =	sld [smem:$0x3FFC];
	_ =	sdelay $0x3  }
0x94: {  	_ =	strace s2  }
0x95: {  	s2 =	sld [smem:$0x3FFD];
	_ =	sdelay $0x3  }
0x96: {  	_ =	strace s2  }
0x97: {  	_ =	strace $0x8FFFFFFF  }
0x98: {  	s18 =	sld [smem:$0x3FDB];
	_ =	sdelay $0x1  }
0x99: {  	s19 =	simm.s32 $_scs_section_size  }
0x9a: {  	s4 =	simm.s32 $_size__tile_overlayer_lowered;
	s5 =	simm.s32 $_tile_overlayer_lowered  }
0x9b: {  	s22 =	simm.s32 $0x1BFF;
	s21 =	sshll.u32 s5, $0x1;
	s2 =	sadd.s32 s19, s18  }
0x9c: {  	s6 =	simm.s32 $0x0;
	s20 =	sshll.u32 s4, $0x1;
	s4 =	sadd.s32 s21, s2  }
0x9d: {  	[timem:s6], [sflag:s22] =	dma.local [hbm:s4], s20  }
0x9e: {  	_ =	swait.ge [sflag:s22], s20  }
0x9f: {  	s3 =	ssub.s32 $0x0, s20;
	[sflag:s22] =	ssyncset.done $0x0  }
0xa0: {  	[sflag:s22] =	ssyncadd.s32 s3;
	_ =	sdelay $0x1  }
0xa1: {  	s23 =	simm.s32 $0x1B8B  }
0xa2: {  	_ =	swait.ge [sflag:s23], $0x1  }
0xa3: {  	[sflag:s23] =	ssyncset.done $0x0  }
0xa4: {  	s25 =	simm.s32 $0x1B8E;
	s24 =	sld [smem:$0x3FFE];
	[sflag:s23] =	ssyncadd.s32 $0xFFFFFFFF  }
0xa5: {  	s26 =	simm.s32 $execute0_lowered;
	[smem:$0x3FD2] =	sst s25  }
0xa6: {  	s4 =	sshll.u32 s26, $0x1;
	_ =	strace $0x8000004F;
	[dreg:$0x1] =	wrdreg $0xFFFFFFFF  }
0xa7: {  	s28 =	simm.s32 $_size_execute0_lowered;
	s2 =	sadd.s32 s2, s4;
	[dreg:$0x0] =	wrdreg $0x0  }
0xa8: {  	s4 =	sshll.u32 s28, $0x1;
	[dreg:$0x2] =	wrdreg s2  }
0xa9: {  	[dreg:$0x3] =	wrdreg s4  }
0xaa: {  	[dreg:$0x4] =	wrdreg $0xC0  }
0xab: {  	_ =	task [dreg:s6], $0x5FFFF  }
0xac: {  	[dreg:$0x1] =	wrdreg $0xFFFFFFFF  }
0xad: {  	[dreg:$0x0] =	wrdreg $0x60  }
0xae: {  	[dreg:$0x2] =	wrdreg s24  }
0xaf: {  	[dreg:$0x3] =	wrdreg $0x90000  }
0xb0: {  	[dreg:$0x4] =	wrdreg $0x9  }
0xb1: {  	_ =	task.clear_ibuf [dreg:s6], $0x5FFFF;
	_ =	strace $0x9000004F  }
0xb2: {  	s29 =	simm.s32 $0x9;
	_ =	strace $0x80000051  }
0xb3: {  	_ =	swait.ge [sflag:s29], $0x1  }
0xb4: {  	[sflag:s29] =	ssyncadd.s32 $0xFFFFFFFF  }
0xb5: {  	_ =	strace $0x90000051  }
0xb6: {  	_ =	sfence  }
0xb7: {  	s30 =	sld [smem:$0x0];
	_ =	sdelay $0x2  }
0xb8: {  	s31 =	sshll.u32 s1, $0xD;
	s1 =	sshrl.u32 s1, $0x2  }
0xb9: {  	s3 =	sand.u32 $0x4000, s31;
	s1 =	sadd.s32 s1, s30  }
0xba: {  	s0 =	sor.u32 s3, s0;
	s1 =	sshll.u32 s1, $0x11  }
0xbb: {  	s0 =	sor.u32 s1, s0  }
0xbc: {  	s0 =	sadd.s32 $0x8F2B, s0  }
0xbd: {  	[sflag:s0] =	ssyncadd.remote.s32 $0x1  }
0xbe: {  	_ =	sfence.sel $0xFFFF  }
0xbf: {  	[dreg:$0x0] =	wrdreg $0xFFFFFFFF;
	(pc) =	sbr.abs _section_cstart, $3  }
0xc0: {  	[dreg:$0x1] =	wrdreg $0xFFFFFFFF  }
0xc1: {  	_ =	task.clear_ibuf [dreg:s6], $0x2FFFF;
	_ =	strace $0x9FFFFFFF  }
0xc2: {  	(tm) =	ssettm $0x7FFFFFFF  }
0xc3: {  	_ =	shalt  }
tec
execute0_lowered:
.L_overlay_start_1:
0x0: {  	(tag) =	ssettag $0x1  }
0x1: {  	s1 =	srdreg.scid;
	s5 =	rddreg [dreg:$0x0]  }
0x2: {  	s0 =	stileid.u32;
	s2 =	rddreg [dreg:$0x1];
	s3 =	simm.s32 $0x0  }
0x3: {  	s14 =	simm.s32 $0x80;
	s15 =	simm.s32 $0x5000;
	s16 =	simm.s32 $0x1  }
0x4: {  	s17 =	simm.s32 $0x0;
	s6 =	sand.u32 $0x1, s1;
	s1 =	rddreg [dreg:$0x2]  }
0x5: {  	s26 =	sshll.u32 s0, $0x1;
	[smem:$0x7FF] =	sst s3;
	s8 =	smul.u32 $0x13C00, s0  }
0x6: {  	s29 =	smul.u32 $0x4F000, s0;
	s31 =	sshll.u32 s0, $0x6;
	s4 =	sor.u32 s6, s26  }
0x7: {  	_ =	strace $0x80000050;
	s9 =	smul.u32 $0x13C000, s6;
	s6 =	ssub.s32 $0x2, s6  }
0x8: {  	s7 =	smul.u32 $0x500, s4;
	s4 =	sadd.s32 $0x8F600, s5;
	s28 =	sshrl.u32 s8, $0x3  }
0x9: {  	s11 =	sshrl.u32 s6, $0x1;
	s30 =	sshrl.u32 s29, $0x2;
	s8 =	sadd.s32 s8, s9  }
0xa: {  	s11 =	ssub.s32 s6, s11;
	s13 =	sadd.s32 s30, s2;
	s6 =	sor.u32 $0x1C02, s31  }
0xb: {  	s10 =	sadd.s32 s7, s5;
	s7 =	sadd.s32 s28, s5;
	s8 =	sshrl.u32 s8, $0x3  }
0xc: {  	s12 =	sadd.s32 s8, s5;
	s5 =	sadd.s32 $0xE600, s7;
	s7 =	sadd.s32 $0x85600, s10  }
0xd: {  	s8 =	sadd.s32 $0x4600, s10;
	s10 =	smax.u32 s11, $0x1;
	s11 =	sshrl.u32 s13, $0x3  }
0xe: {  	s13 =	simm.s32 $0x2800;
	s9 =	sadd.s32 $0xB6800, s12;
	s12 =	simm.s32 $0x2  }
.LBB2_1:
0xf: {  	[spmem:s11], [sflag:s6] =	dma.local [hbm:s5], $0x2780  }
0x10: {  	_ =	swait.ge [sflag:s12], $0x2780  }
0x11: {  	[sflag:s12] =	ssyncset.done $0x0  }
0x12: {  	[sflag:s12] =	ssyncadd.s32 $0xFFFFD880  }
0x13: {  	[tilespmem:s3], [sflag:$0x2] =	stream.linear.gather [hbm4b:s7+s3], $0x2780, $0x38;
	[tilespmem:$0x1CC00] =	vst v63  }
0x14: {  	_ =	swait.ge [sflag:s12], $0x2780  }
0x15: {  	[sflag:s12] =	ssyncset.done $0x0  }
0x16: {  	[sflag:s12] =	ssyncadd.s32 $0xFFFFD880  }
0x17: {  	[tilespmem:s13], [sflag:$0x2] =	stream.linear.gather [hbm4b:s8+s3], $0x2780, $0x38;
	[tilespmem:$0x1CC00] =	vst v63  }
0x18: {  	_ =	swait.ge [sflag:s12], $0x2780  }
0x19: {  	[sflag:s12] =	ssyncset.done $0x0  }
0x1a: {  	[sflag:s12] =	ssyncadd.s32 $0xFFFFD880  }
0x1b: {  	s18 =	simm.s32 $0x0;
	[bflag:$0x0] =	sbarrier.arrive $0xFFFF  }
0x1c: {  	[tilespmem:s15], [sflag:$0x1] =	stream.indirect.gather [hbm4b:s4+s14], $0x80, s18, s14, $0xb8;
	[tilespmem:$0x1CC00] =	vst v63  }
0x1d: {  	_ =	swait.ge [sflag:s16], $0x4000  }
0x1e: {  	[sflag:s16] =	ssyncset.done $0x0  }
0x1f: {  	s31 =	simm.s32 $0x2800;
	[sflag:s16] =	ssyncadd.s32 $0xFFFFC000  }
0x20: {  	[spmem:s2] =	stream.indirect.scatter.add.f32 [tilespmem:s15], [sflag:$0x2], $0x80, s31, s14, $0xb8;
	[tilespmem:$0x1CC00] =	vst v63  }
0x21: {  	_ =	swait.ge [sflag:s12], $0x4000  }
0x22: {  	s19 =	simm.s32 $0x400;
	s18 =	simm.s32 $0x200;
	[sflag:s12] =	ssyncset.done $0x0  }
.LBB2_2:
0x23: {  	s20 =	sshra.s32 s18, $0x2  }
0x24: {  	[sflag:s12] =	ssyncadd.s32 $0xFFFFC000;
	s18 =	smov.u32 s19;
	s21 =	sadd.s32 $0x200, s19  }
0x25: {  	[tilespmem:s15], [sflag:$0x1] =	stream.indirect.gather [hbm4b:s4+s14], $0x80, s20, s14, $0xb8;
	[tilespmem:$0x1CC00] =	vst v63  }
0x26: {  	p0 =	sne.s32 s19, $0x9C00;
	_ =	swait.ge [sflag:s16], $0x4000  }
.Ltmp0:
0x27: {  	[sflag:s16] =	ssyncset.done $0x0;
	(pc) =	sbr.rel @p0 .LBB2_2-.Ltmp0, $4  }
0x28: {  	s19 =	sadd.s32 $0x2800, s20;
	[sflag:s16] =	ssyncadd.s32 $0xFFFFC000  }
0x29: {  	[spmem:s2] =	stream.indirect.scatter.add.f32 [tilespmem:s15], [sflag:$0x2], $0x80, s19, s14, $0xb8;
	[tilespmem:$0x1CC00] =	vst v63  }
0x2a: {  	_ =	swait.ge [sflag:s12], $0x4000  }
0x2b: {  	s19 =	smov.u32 s21;
	[sflag:s12] =	ssyncset.done $0x0  }
0x2c: {  	s18 =	sshra.s32 s18, $0x2;
	[sflag:s12] =	ssyncadd.s32 $0xFFFFC000  }
0x2d: {  	[tilespmem:s15], [sflag:$0x1] =	stream.indirect.gather [hbm4b:s4+s14], $0x80, s18, s14, $0xb8;
	[tilespmem:$0x1CC00] =	vst v63  }
0x2e: {  	_ =	swait.ge [sflag:s16], $0x4000  }
0x2f: {  	[sflag:s16] =	ssyncset.done $0x0  }
0x30: {  	s18 =	sadd.s32 $0x2800, s18;
	[sflag:s16] =	ssyncadd.s32 $0xFFFFC000  }
0x31: {  	[spmem:s2] =	stream.indirect.scatter.add.f32 [tilespmem:s15], [sflag:$0x2], $0x80, s18, s14, $0xb8;
	[tilespmem:$0x1CC00] =	vst v63  }
0x32: {  	_ =	swait.ge [sflag:s12], $0x4000  }
0x33: {  	s17 =	sadd.s32 $0x1, s17;
	[sflag:s12] =	ssyncset.done $0x0  }
0x34: {  	p0 =	sne.s32 s17, s10;
	[sflag:s12] =	ssyncadd.s32 $0xFFFFC000  }
.Ltmp1:
0x35: {  	[bflag:$0x0] =	sbarrier.arrive $0xFFFF;
	(pc) =	sbr.rel @p0 .LBB2_1-.Ltmp1, $4  }
0x36: {  	[hbm:s9], [sflag:s6] =	dma.local [spmem:s11], $0x2780  }
0x37: {  	_ =	swait.ge [sflag:s12], $0x2780  }
0x38: {  	[sflag:s12] =	ssyncset.done $0x0  }
0x39: {  	[sflag:s12] =	ssyncadd.s32 $0xFFFFD880  }
0x3a: {  	_ =	sfence.sel $0x180000  }
0x3b: {  	[bflag:$0x0] =	sbarrier.arrive $0xFFFF  }
0x3c: {  	p0 =	sne.s32 s0, $0x0;
	_ =	strace $0x90000050  }
0x3d: {  	s0 =	sadd.s32 @!p0 $0x100000, s1;
	[bflag:$0x2] =	sbarrier.arrive $0xFFFF  }
0x3e: {  	[sflag:s0] =	ssyncadd.tile.s32 @!p0 $0x1;
	_ =	shalt  }
.Lfunc_end2:
_tile_overlayer_lowered:
.L_overlay_start_2:
0x3f: {  	(tag) =	ssettag $0x2  }
0x40: {  	s0 =	rddreg [dreg:$0x0];
	s2 =	stileid.u32  }
0x41: {  	s1 =	rddreg [dreg:$0x1];
	p0 =	sne.s32 s2, $0x0  }
0x42: {  	s3 =	rddreg [dreg:$0x2];
	[bflag:$0x3] =	sbarrier.arrive $0xFFFF;
	s2 =	simm.s32 @!p0 $0x1C02  }
0x43: {  	[timem:s3], [sflag:s2] =	dma.local @!p0 [hbm:s0], s1  }
0x44: {  	s0 =	simm.s32 @!p0 $0x2  }
0x45: {  	_ =	swait.ge @!p0 [sflag:s0], s1  }
0x46: {  	s1 =	ssub.s32 @!p0 $0x0, s1;
	[sflag:s0] =	ssyncset.done @!p0 $0x0  }
0x47: {  	[sflag:s0] =	ssyncadd.s32 @!p0 s1  }
0x48: {  	[bflag:$0x3] =	sbarrier.arrive $0xFFFF  }
0x49: {  	_ =	shalt  }

</sc_bundles>
